<compile_context>
chip_gen: v7x
topology: tpu7x:2x2x1
jax: 0.10.2.dev20260603
libtpu: 0.0.44.dev20260713+nightly
codegen_flags: <defaults>
</compile_context>

<pallas_src>
import functools

import jax
import jax.numpy as jnp
from jax import lax
from jax.experimental import pallas as pl
from jax.experimental.pallas import tpu as pltpu
from jax.experimental.pallas import tpu_sc as plsc

_B, _N, _C = 8, 2048, 40
_K = 8
_L = 16


def _chamfer_kernel(a_ref, b_ref, out_ref):
    total = jnp.float32(0.0)
    for b in range(_B):
        a = a_ref[b]
        bb = b_ref[b]
        an = jnp.sum(a * a, axis=1, keepdims=True)
        bn = jnp.sum(bb * bb, axis=0, keepdims=True)
        c2 = jax.lax.dot(-2.0 * a, bb,
                         preferred_element_type=jnp.float32)
        m1 = jnp.min(bn + c2, axis=1, keepdims=True)
        m2 = jnp.min(an + c2, axis=0, keepdims=True)
        s1 = jnp.sum(jnp.maximum(an + m1, 0.0))
        s2 = jnp.sum(jnp.maximum(bn + m2, 0.0))
        total += (s1 + s2) / (_N * _B)
    out_ref[...] = total.reshape(1, 1)


@functools.partial(
    pl.kernel,
    mesh=plsc.VectorSubcoreMesh(core_axis_name="c", subcore_axis_name="s"),
    out_type=jax.ShapeDtypeStruct((_L,), jnp.float32),
    scratch_types=[
        pltpu.VMEM((_C, _L), jnp.float32),
        pltpu.VMEM((_L,), jnp.int32),
        pltpu.VMEM((_L,), jnp.float32),
    ],
)
def _nll_gather_sc(pred_hbm, idx_hbm, out_hbm, predv, idxv, outv):
    @pl.when((lax.axis_index("c") == 0) & (lax.axis_index("s") == 0))
    def _():
        pltpu.sync_copy(pred_hbm, predv)
        pltpu.sync_copy(idx_hbm, idxv)
        idx = idxv[...]
        vals = jnp.zeros((_L,), jnp.float32)
        for c in range(_C):
            vals = jnp.where(idx == c, predv[c], vals)
        outv[...] = vals
        pltpu.sync_copy(outv, out_hbm)


def kernel(reg, point1, pred, target):
    a3 = jnp.pad(reg, ((0, 0), (0, 0), (0, _K - 3)))
    b3 = jnp.pad(point1, ((0, 0), (0, 0), (0, _K - 3))).transpose(0, 2, 1)
    pred_cm = jnp.pad(pred.T, ((0, 0), (0, _L - _B)))
    tgt_pad = jnp.pad(target, (0, _L - _B), constant_values=_C)

    gathered = _nll_gather_sc(pred_cm, tgt_pad)

    chamfer = pl.pallas_call(
        _chamfer_kernel,
        grid=(1,),
        in_specs=[
            pl.BlockSpec((_B, _N, _K), lambda i: (0, 0, 0)),
            pl.BlockSpec((_B, _K, _N), lambda i: (0, 0, 0)),
        ],
        out_specs=pl.BlockSpec((1, 1), lambda i: (0, 0)),
        out_shape=jax.ShapeDtypeStruct((1, 1), jnp.float32),
        compiler_params=pltpu.CompilerParams(
            dimension_semantics=("arbitrary",),
        ),
    )(a3, b3)
    return chamfer[0, 0] - jnp.sum(gathered) / _B

# --- scband reference (transcript-rebuilt; emitter-appended) ---
"""Pipeline reference for scband-get-loss-79207786873276 (READ-ONLY COPY).

The authoritative reference and input builder live on the scoring server;
editing this copy changes nothing except your own understanding.
"""

import jax, jax.numpy as jnp
import numpy as np


def _pairwise_sqdist(a, b):
    # a: [B, N, 3], b: [B, M, 3] -> [B, N, M] squared euclidean distances
    an = jnp.sum(a * a, axis=-1)  # [B, N]
    bn = jnp.sum(b * b, axis=-1)  # [B, M]
    cross = jnp.einsum('bnd,bmd->bnm', a, b)  # [B, N, M]
    d = an[:, :, None] + bn[None_if := None, None, :][0] if False else an[:, :, None] + bn[:, None, :] - 2.0 * cross
    return jnp.maximum(d, 0.0)


def setup_inputs(seed: int = 0) -> dict:
    key = jax.random.key(seed)
    k1, k2, k3, k4 = jax.random.split(key, 4)
    reg = jax.random.normal(k1, (8, 2048, 3), dtype=jnp.float32)
    point1 = jax.random.normal(k2, (8, 2048, 3), dtype=jnp.float32)
    pred = jax.random.normal(k3, (8, 40), dtype=jnp.float32)
    target = jax.random.randint(k4, (8,), 0, 40, dtype=jnp.int32)
    return {"reg": reg, "point1": point1, "pred": pred, "target": target}


def reference(reg, point1, pred, target):
    # F.nll_loss(pred, target) with default mean reduction:
    B = pred.shape[0]
    nll = -jnp.mean(pred[jnp.arange(B), target])

    # ChamferDistance(reg, point1) -> dist1 [B,N], dist2 [B,M], idx1, idx2
    d = _pairwise_sqdist(reg, point1)  # [B, N, M]
    dist1 = jnp.min(d, axis=2)
    idx1 = jnp.argmin(d, axis=2)
    dist2 = jnp.min(d, axis=1)
    idx2 = jnp.argmin(d, axis=1)
    del idx1, idx2  # computed by ChamferDistance but unused in the loss

    reg_loss = jnp.mean(jnp.mean(dist1, axis=1) + jnp.mean(dist2, axis=1))
    total_loss = nll + reg_loss
    return total_loss

if __name__ == "__main__":
    import jax
    _d = setup_inputs()
    print(jax.jit(kernel)(*tuple(_d.values())))

</pallas_src>

<mosaic_0001>
#map = affine_map<(d0, d1) -> (0, 0)>
#map1 = affine_map<(d0, d1) -> (0)>
module attributes {stable_mosaic.version = 14 : i64} {
  func.func @_nll_gather_sc(%arg0: i32, %arg1: i32, %arg2: memref<40x16xf32, #tpu.memory_space<hbm>>, %arg3: memref<16xi32, #tpu.memory_space<hbm>>, %arg4: memref<16xf32, #tpu.memory_space<hbm>>, %arg5: memref<40x16xf32, #tpu.memory_space<vmem>>, %arg6: memref<16xi32, #tpu.memory_space<vmem>>, %arg7: memref<16xf32, #tpu.memory_space<vmem>>) attributes {dimension_semantics = [#tpu.dimension_semantics<core_parallel>, #tpu.dimension_semantics<subcore_parallel>], iteration_bounds = array<i64: 2, 16>, scalar_prefetch = 0 : i64, scratch_operands = 3 : i64, tpu.core_type = #tpu.core_type<sc_vector_subcore>, window_params = [{transform_indices = #map}, {transform_indices = #map1}, {transform_indices = #map1}]} {
    %eq3A = arith.constant 0 : i32
    %eq3A_0 = arith.cmpi eq, %arg0, %eq3A : i32
    %eq3A_1 = arith.constant 0 : i32
    %eq3A_2 = arith.cmpi eq, %arg1, %eq3A_1 : i32
    %and3A = arith.andi %eq3A_0, %eq3A_2 : i1
    %convert_element_type3A = arith.extui %and3A : i1 to i32
    %cond3A = arith.constant 0 : i32
    %cond3A_3 = arith.cmpi ne, %convert_element_type3A, %cond3A : i32
    scf.if %cond3A_3 {
      "tpu.region"() ({
        %run_scoped3A = tpu.sem_alloc : memref<!tpu.dma_semaphore, #tpu.memory_space<semaphore_mem>>
        tpu.enqueue_dma source(%arg2 : memref<40x16xf32, #tpu.memory_space<hbm>>) target(%arg5 : memref<40x16xf32, #tpu.memory_space<vmem>>) target_semaphore(%run_scoped3A : memref<!tpu.dma_semaphore, #tpu.memory_space<semaphore_mem>>)
        tpu.wait_dma2 semaphore(%run_scoped3A : memref<!tpu.dma_semaphore, #tpu.memory_space<semaphore_mem>>) src(%arg2 : memref<40x16xf32, #tpu.memory_space<hbm>>) dst(%arg5 : memref<40x16xf32, #tpu.memory_space<vmem>>)
        tpu.yield
      }) : () -> ()
      "tpu.region"() ({
        %run_scoped3A = tpu.sem_alloc : memref<!tpu.dma_semaphore, #tpu.memory_space<semaphore_mem>>
        tpu.enqueue_dma source(%arg3 : memref<16xi32, #tpu.memory_space<hbm>>) target(%arg6 : memref<16xi32, #tpu.memory_space<vmem>>) target_semaphore(%run_scoped3A : memref<!tpu.dma_semaphore, #tpu.memory_space<semaphore_mem>>)
        tpu.wait_dma2 semaphore(%run_scoped3A : memref<!tpu.dma_semaphore, #tpu.memory_space<semaphore_mem>>) src(%arg3 : memref<16xi32, #tpu.memory_space<hbm>>) dst(%arg6 : memref<16xi32, #tpu.memory_space<vmem>>)
        tpu.yield
      }) : () -> ()
      %get3A = arith.constant 0 : index
      %get3A_4 = tpu.vector_load %arg6[%get3A] {strides = array<i32>} : memref<16xi32, #tpu.memory_space<vmem>>, vector<16xi32>,
      %get3A_5 = vector.shape_cast %get3A_4 : vector<16xi32> to vector<16xi32>
      %broadcast_in_dim3A = arith.constant 0.000000e+00 : f32
      %broadcast_in_dim3A_6 = vector.broadcast %broadcast_in_dim3A : f32 to vector<16xf32>
      %eq3A_7 = arith.constant 0 : i32
      %eq3A_8 = vector.broadcast %eq3A_7 : i32 to vector<16xi32>
      %eq3A_9 = arith.cmpi eq, %get3A_5, %eq3A_8 : vector<16xi32>
      %get3A_10 = arith.constant 0 : i32
      %get3A_11 = arith.index_cast %get3A_10 : i32 to index
      %get3A_12 = arith.constant 0 : index
      %get3A_13 = tpu.vector_load %arg5[%get3A_11, %get3A_12] {strides = array<i32>} : memref<40x16xf32, #tpu.memory_space<vmem>>, vector<1x16xf32>,
      %get3A_14 = vector.shape_cast %get3A_13 : vector<1x16xf32> to vector<16xf32>
      %select_n3A = arith.select %eq3A_9, %get3A_14, %broadcast_in_dim3A_6 : vector<16xi1>, vector<16xf32>
      %eq3A_15 = arith.constant 1 : i32
      %eq3A_16 = vector.broadcast %eq3A_15 : i32 to vector<16xi32>
      %eq3A_17 = arith.cmpi eq, %get3A_5, %eq3A_16 : vector<16xi32>
      %get3A_18 = arith.constant 1 : i32
      %get3A_19 = arith.index_cast %get3A_18 : i32 to index
      %get3A_20 = arith.constant 0 : index
      %get3A_21 = tpu.vector_load %arg5[%get3A_19, %get3A_20] {strides = array<i32>} : memref<40x16xf32, #tpu.memory_space<vmem>>, vector<1x16xf32>,
      %get3A_22 = vector.shape_cast %get3A_21 : vector<1x16xf32> to vector<16xf32>
      %select_n3A_23 = arith.select %eq3A_17, %get3A_22, %select_n3A : vector<16xi1>, vector<16xf32>
      %eq3A_24 = arith.constant 2 : i32
      %eq3A_25 = vector.broadcast %eq3A_24 : i32 to vector<16xi32>
      %eq3A_26 = arith.cmpi eq, %get3A_5, %eq3A_25 : vector<16xi32>
      %get3A_27 = arith.constant 2 : i32
      %get3A_28 = arith.index_cast %get3A_27 : i32 to index
      %get3A_29 = arith.constant 0 : index
      %get3A_30 = tpu.vector_load %arg5[%get3A_28, %get3A_29] {strides = array<i32>} : memref<40x16xf32, #tpu.memory_space<vmem>>, vector<1x16xf32>,
      %get3A_31 = vector.shape_cast %get3A_30 : vector<1x16xf32> to vector<16xf32>
      %select_n3A_32 = arith.select %eq3A_26, %get3A_31, %select_n3A_23 : vector<16xi1>, vector<16xf32>
      %eq3A_33 = arith.constant 3 : i32
      %eq3A_34 = vector.broadcast %eq3A_33 : i32 to vector<16xi32>
      %eq3A_35 = arith.cmpi eq, %get3A_5, %eq3A_34 : vector<16xi32>
      %get3A_36 = arith.constant 3 : i32
      %get3A_37 = arith.index_cast %get3A_36 : i32 to index
      %get3A_38 = arith.constant 0 : index
      %get3A_39 = tpu.vector_load %arg5[%get3A_37, %get3A_38] {strides = array<i32>} : memref<40x16xf32, #tpu.memory_space<vmem>>, vector<1x16xf32>,
      %get3A_40 = vector.shape_cast %get3A_39 : vector<1x16xf32> to vector<16xf32>
      %select_n3A_41 = arith.select %eq3A_35, %get3A_40, %select_n3A_32 : vector<16xi1>, vector<16xf32>
      %eq3A_42 = arith.constant 4 : i32
      %eq3A_43 = vector.broadcast %eq3A_42 : i32 to vector<16xi32>
      %eq3A_44 = arith.cmpi eq, %get3A_5, %eq3A_43 : vector<16xi32>
      %get3A_45 = arith.constant 4 : i32
      %get3A_46 = arith.index_cast %get3A_45 : i32 to index
      %get3A_47 = arith.constant 0 : index
      %get3A_48 = tpu.vector_load %arg5[%get3A_46, %get3A_47] {strides = array<i32>} : memref<40x16xf32, #tpu.memory_space<vmem>>, vector<1x16xf32>,
      %get3A_49 = vector.shape_cast %get3A_48 : vector<1x16xf32> to vector<16xf32>
      %select_n3A_50 = arith.select %eq3A_44, %get3A_49, %select_n3A_41 : vector<16xi1>, vector<16xf32>
      %eq3A_51 = arith.constant 5 : i32
      %eq3A_52 = vector.broadcast %eq3A_51 : i32 to vector<16xi32>
      %eq3A_53 = arith.cmpi eq, %get3A_5, %eq3A_52 : vector<16xi32>
      %get3A_54 = arith.constant 5 : i32
      %get3A_55 = arith.index_cast %get3A_54 : i32 to index
      %get3A_56 = arith.constant 0 : index
      %get3A_57 = tpu.vector_load %arg5[%get3A_55, %get3A_56] {strides = array<i32>} : memref<40x16xf32, #tpu.memory_space<vmem>>, vector<1x16xf32>,
      %get3A_58 = vector.shape_cast %get3A_57 : vector<1x16xf32> to vector<16xf32>
      %select_n3A_59 = arith.select %eq3A_53, %get3A_58, %select_n3A_50 : vector<16xi1>, vector<16xf32>
      %eq3A_60 = arith.constant 6 : i32
      %eq3A_61 = vector.broadcast %eq3A_60 : i32 to vector<16xi32>
      %eq3A_62 = arith.cmpi eq, %get3A_5, %eq3A_61 : vector<16xi32>
      %get3A_63 = arith.constant 6 : i32
      %get3A_64 = arith.index_cast %get3A_63 : i32 to index
      %get3A_65 = arith.constant 0 : index
      %get3A_66 = tpu.vector_load %arg5[%get3A_64, %get3A_65] {strides = array<i32>} : memref<40x16xf32, #tpu.memory_space<vmem>>, vector<1x16xf32>,
      %get3A_67 = vector.shape_cast %get3A_66 : vector<1x16xf32> to vector<16xf32>
      %select_n3A_68 = arith.select %eq3A_62, %get3A_67, %select_n3A_59 : vector<16xi1>, vector<16xf32>
      %eq3A_69 = arith.constant 7 : i32
      %eq3A_70 = vector.broadcast %eq3A_69 : i32 to vector<16xi32>
      %eq3A_71 = arith.cmpi eq, %get3A_5, %eq3A_70 : vector<16xi32>
      %get3A_72 = arith.constant 7 : i32
      %get3A_73 = arith.index_cast %get3A_72 : i32 to index
      %get3A_74 = arith.constant 0 : index
      %get3A_75 = tpu.vector_load %arg5[%get3A_73, %get3A_74] {strides = array<i32>} : memref<40x16xf32, #tpu.memory_space<vmem>>, vector<1x16xf32>,
      %get3A_76 = vector.shape_cast %get3A_75 : vector<1x16xf32> to vector<16xf32>
      %select_n3A_77 = arith.select %eq3A_71, %get3A_76, %select_n3A_68 : vector<16xi1>, vector<16xf32>
      %eq3A_78 = arith.constant 8 : i32
      %eq3A_79 = vector.broadcast %eq3A_78 : i32 to vector<16xi32>
      %eq3A_80 = arith.cmpi eq, %get3A_5, %eq3A_79 : vector<16xi32>
      %get3A_81 = arith.constant 8 : i32
      %get3A_82 = arith.index_cast %get3A_81 : i32 to index
      %get3A_83 = arith.constant 0 : index
      %get3A_84 = tpu.vector_load %arg5[%get3A_82, %get3A_83] {strides = array<i32>} : memref<40x16xf32, #tpu.memory_space<vmem>>, vector<1x16xf32>,
      %get3A_85 = vector.shape_cast %get3A_84 : vector<1x16xf32> to vector<16xf32>
      %select_n3A_86 = arith.select %eq3A_80, %get3A_85, %select_n3A_77 : vector<16xi1>, vector<16xf32>
      %eq3A_87 = arith.constant 9 : i32
      %eq3A_88 = vector.broadcast %eq3A_87 : i32 to vector<16xi32>
      %eq3A_89 = arith.cmpi eq, %get3A_5, %eq3A_88 : vector<16xi32>
      %get3A_90 = arith.constant 9 : i32
      %get3A_91 = arith.index_cast %get3A_90 : i32 to index
      %get3A_92 = arith.constant 0 : index
      %get3A_93 = tpu.vector_load %arg5[%get3A_91, %get3A_92] {strides = array<i32>} : memref<40x16xf32, #tpu.memory_space<vmem>>, vector<1x16xf32>,
      %get3A_94 = vector.shape_cast %get3A_93 : vector<1x16xf32> to vector<16xf32>
      %select_n3A_95 = arith.select %eq3A_89, %get3A_94, %select_n3A_86 : vector<16xi1>, vector<16xf32>
      %eq3A_96 = arith.constant 10 : i32
      %eq3A_97 = vector.broadcast %eq3A_96 : i32 to vector<16xi32>
      %eq3A_98 = arith.cmpi eq, %get3A_5, %eq3A_97 : vector<16xi32>
      %get3A_99 = arith.constant 10 : i32
      %get3A_100 = arith.index_cast %get3A_99 : i32 to index
      %get3A_101 = arith.constant 0 : index
      %get3A_102 = tpu.vector_load %arg5[%get3A_100, %get3A_101] {strides = array<i32>} : memref<40x16xf32, #tpu.memory_space<vmem>>, vector<1x16xf32>,
      %get3A_103 = vector.shape_cast %get3A_102 : vector<1x16xf32> to vector<16xf32>
      %select_n3A_104 = arith.select %eq3A_98, %get3A_103, %select_n3A_95 : vector<16xi1>, vector<16xf32>
      %eq3A_105 = arith.constant 11 : i32
      %eq3A_106 = vector.broadcast %eq3A_105 : i32 to vector<16xi32>
      %eq3A_107 = arith.cmpi eq, %get3A_5, %eq3A_106 : vector<16xi32>
      %get3A_108 = arith.constant 11 : i32
      %get3A_109 = arith.index_cast %get3A_108 : i32 to index
      %get3A_110 = arith.constant 0 : index
      %get3A_111 = tpu.vector_load %arg5[%get3A_109, %get3A_110] {strides = array<i32>} : memref<40x16xf32, #tpu.memory_space<vmem>>, vector<1x16xf32>,
      %get3A_112 = vector.shape_cast %get3A_111 : vector<1x16xf32> to vector<16xf32>
      %select_n3A_113 = arith.select %eq3A_107, %get3A_112, %select_n3A_104 : vector<16xi1>, vector<16xf32>
      %eq3A_114 = arith.constant 12 : i32
      %eq3A_115 = vector.broadcast %eq3A_114 : i32 to vector<16xi32>
      %eq3A_116 = arith.cmpi eq, %get3A_5, %eq3A_115 : vector<16xi32>
      %get3A_117 = arith.constant 12 : i32
      %get3A_118 = arith.index_cast %get3A_117 : i32 to index
      %get3A_119 = arith.constant 0 : index
      %get3A_120 = tpu.vector_load %arg5[%get3A_118, %get3A_119] {strides = array<i32>} : memref<40x16xf32, #tpu.memory_space<vmem>>, vector<1x16xf32>,
      %get3A_121 = vector.shape_cast %get3A_120 : vector<1x16xf32> to vector<16xf32>
      %select_n3A_122 = arith.select %eq3A_116, %get3A_121, %select_n3A_113 : vector<16xi1>, vector<16xf32>
      %eq3A_123 = arith.constant 13 : i32
      %eq3A_124 = vector.broadcast %eq3A_123 : i32 to vector<16xi32>
      %eq3A_125 = arith.cmpi eq, %get3A_5, %eq3A_124 : vector<16xi32>
      %get3A_126 = arith.constant 13 : i32
      %get3A_127 = arith.index_cast %get3A_126 : i32 to index
      %get3A_128 = arith.constant 0 : index
      %get3A_129 = tpu.vector_load %arg5[%get3A_127, %get3A_128] {strides = array<i32>} : memref<40x16xf32, #tpu.memory_space<vmem>>, vector<1x16xf32>,
      %get3A_130 = vector.shape_cast %get3A_129 : vector<1x16xf32> to vector<16xf32>
      %select_n3A_131 = arith.select %eq3A_125, %get3A_130, %select_n3A_122 : vector<16xi1>, vector<16xf32>
      %eq3A_132 = arith.constant 14 : i32
      %eq3A_133 = vector.broadcast %eq3A_132 : i32 to vector<16xi32>
      %eq3A_134 = arith.cmpi eq, %get3A_5, %eq3A_133 : vector<16xi32>
      %get3A_135 = arith.constant 14 : i32
      %get3A_136 = arith.index_cast %get3A_135 : i32 to index
      %get3A_137 = arith.constant 0 : index
      %get3A_138 = tpu.vector_load %arg5[%get3A_136, %get3A_137] {strides = array<i32>} : memref<40x16xf32, #tpu.memory_space<vmem>>, vector<1x16xf32>,
      %get3A_139 = vector.shape_cast %get3A_138 : vector<1x16xf32> to vector<16xf32>
      %select_n3A_140 = arith.select %eq3A_134, %get3A_139, %select_n3A_131 : vector<16xi1>, vector<16xf32>
      %eq3A_141 = arith.constant 15 : i32
      %eq3A_142 = vector.broadcast %eq3A_141 : i32 to vector<16xi32>
      %eq3A_143 = arith.cmpi eq, %get3A_5, %eq3A_142 : vector<16xi32>
      %get3A_144 = arith.constant 15 : i32
      %get3A_145 = arith.index_cast %get3A_144 : i32 to index
      %get3A_146 = arith.constant 0 : index
      %get3A_147 = tpu.vector_load %arg5[%get3A_145, %get3A_146] {strides = array<i32>} : memref<40x16xf32, #tpu.memory_space<vmem>>, vector<1x16xf32>,
      %get3A_148 = vector.shape_cast %get3A_147 : vector<1x16xf32> to vector<16xf32>
      %select_n3A_149 = arith.select %eq3A_143, %get3A_148, %select_n3A_140 : vector<16xi1>, vector<16xf32>
      %eq3A_150 = arith.constant 16 : i32
      %eq3A_151 = vector.broadcast %eq3A_150 : i32 to vector<16xi32>
      %eq3A_152 = arith.cmpi eq, %get3A_5, %eq3A_151 : vector<16xi32>
      %get3A_153 = arith.constant 16 : i32
      %get3A_154 = arith.index_cast %get3A_153 : i32 to index
      %get3A_155 = arith.constant 0 : index
      %get3A_156 = tpu.vector_load %arg5[%get3A_154, %get3A_155] {strides = array<i32>} : memref<40x16xf32, #tpu.memory_space<vmem>>, vector<1x16xf32>,
      %get3A_157 = vector.shape_cast %get3A_156 : vector<1x16xf32> to vector<16xf32>
      %select_n3A_158 = arith.select %eq3A_152, %get3A_157, %select_n3A_149 : vector<16xi1>, vector<16xf32>
      %eq3A_159 = arith.constant 17 : i32
      %eq3A_160 = vector.broadcast %eq3A_159 : i32 to vector<16xi32>
      %eq3A_161 = arith.cmpi eq, %get3A_5, %eq3A_160 : vector<16xi32>
      %get3A_162 = arith.constant 17 : i32
      %get3A_163 = arith.index_cast %get3A_162 : i32 to index
      %get3A_164 = arith.constant 0 : index
      %get3A_165 = tpu.vector_load %arg5[%get3A_163, %get3A_164] {strides = array<i32>} : memref<40x16xf32, #tpu.memory_space<vmem>>, vector<1x16xf32>,
      %get3A_166 = vector.shape_cast %get3A_165 : vector<1x16xf32> to vector<16xf32>
      %select_n3A_167 = arith.select %eq3A_161, %get3A_166, %select_n3A_158 : vector<16xi1>, vector<16xf32>
      %eq3A_168 = arith.constant 18 : i32
      %eq3A_169 = vector.broadcast %eq3A_168 : i32 to vector<16xi32>
      %eq3A_170 = arith.cmpi eq, %get3A_5, %eq3A_169 : vector<16xi32>
      %get3A_171 = arith.constant 18 : i32
      %get3A_172 = arith.index_cast %get3A_171 : i32 to index
      %get3A_173 = arith.constant 0 : index
      %get3A_174 = tpu.vector_load %arg5[%get3A_172, %get3A_173] {strides = array<i32>} : memref<40x16xf32, #tpu.memory_space<vmem>>, vector<1x16xf32>,
      %get3A_175 = vector.shape_cast %get3A_174 : vector<1x16xf32> to vector<16xf32>
      %select_n3A_176 = arith.select %eq3A_170, %get3A_175, %select_n3A_167 : vector<16xi1>, vector<16xf32>
      %eq3A_177 = arith.constant 19 : i32
      %eq3A_178 = vector.broadcast %eq3A_177 : i32 to vector<16xi32>
      %eq3A_179 = arith.cmpi eq, %get3A_5, %eq3A_178 : vector<16xi32>
      %get3A_180 = arith.constant 19 : i32
      %get3A_181 = arith.index_cast %get3A_180 : i32 to index
      %get3A_182 = arith.constant 0 : index
      %get3A_183 = tpu.vector_load %arg5[%get3A_181, %get3A_182] {strides = array<i32>} : memref<40x16xf32, #tpu.memory_space<vmem>>, vector<1x16xf32>,
      %get3A_184 = vector.shape_cast %get3A_183 : vector<1x16xf32> to vector<16xf32>
      %select_n3A_185 = arith.select %eq3A_179, %get3A_184, %select_n3A_176 : vector<16xi1>, vector<16xf32>
      %eq3A_186 = arith.constant 20 : i32
      %eq3A_187 = vector.broadcast %eq3A_186 : i32 to vector<16xi32>
      %eq3A_188 = arith.cmpi eq, %get3A_5, %eq3A_187 : vector<16xi32>
      %get3A_189 = arith.constant 20 : i32
      %get3A_190 = arith.index_cast %get3A_189 : i32 to index
      %get3A_191 = arith.constant 0 : index
      %get3A_192 = tpu.vector_load %arg5[%get3A_190, %get3A_191] {strides = array<i32>} : memref<40x16xf32, #tpu.memory_space<vmem>>, vector<1x16xf32>,
      %get3A_193 = vector.shape_cast %get3A_192 : vector<1x16xf32> to vector<16xf32>
      %select_n3A_194 = arith.select %eq3A_188, %get3A_193, %select_n3A_185 : vector<16xi1>, vector<16xf32>
      %eq3A_195 = arith.constant 21 : i32
      %eq3A_196 = vector.broadcast %eq3A_195 : i32 to vector<16xi32>
      %eq3A_197 = arith.cmpi eq, %get3A_5, %eq3A_196 : vector<16xi32>
      %get3A_198 = arith.constant 21 : i32
      %get3A_199 = arith.index_cast %get3A_198 : i32 to index
      %get3A_200 = arith.constant 0 : index
      %get3A_201 = tpu.vector_load %arg5[%get3A_199, %get3A_200] {strides = array<i32>} : memref<40x16xf32, #tpu.memory_space<vmem>>, vector<1x16xf32>,
      %get3A_202 = vector.shape_cast %get3A_201 : vector<1x16xf32> to vector<16xf32>
      %select_n3A_203 = arith.select %eq3A_197, %get3A_202, %select_n3A_194 : vector<16xi1>, vector<16xf32>
      %eq3A_204 = arith.constant 22 : i32
      %eq3A_205 = vector.broadcast %eq3A_204 : i32 to vector<16xi32>
      %eq3A_206 = arith.cmpi eq, %get3A_5, %eq3A_205 : vector<16xi32>
      %get3A_207 = arith.constant 22 : i32
      %get3A_208 = arith.index_cast %get3A_207 : i32 to index
      %get3A_209 = arith.constant 0 : index
      %get3A_210 = tpu.vector_load %arg5[%get3A_208, %get3A_209] {strides = array<i32>} : memref<40x16xf32, #tpu.memory_space<vmem>>, vector<1x16xf32>,
      %get3A_211 = vector.shape_cast %get3A_210 : vector<1x16xf32> to vector<16xf32>
      %select_n3A_212 = arith.select %eq3A_206, %get3A_211, %select_n3A_203 : vector<16xi1>, vector<16xf32>
      %eq3A_213 = arith.constant 23 : i32
      %eq3A_214 = vector.broadcast %eq3A_213 : i32 to vector<16xi32>
      %eq3A_215 = arith.cmpi eq, %get3A_5, %eq3A_214 : vector<16xi32>
      %get3A_216 = arith.constant 23 : i32
      %get3A_217 = arith.index_cast %get3A_216 : i32 to index
      %get3A_218 = arith.constant 0 : index
      %get3A_219 = tpu.vector_load %arg5[%get3A_217, %get3A_218] {strides = array<i32>} : memref<40x16xf32, #tpu.memory_space<vmem>>, vector<1x16xf32>,
      %get3A_220 = vector.shape_cast %get3A_219 : vector<1x16xf32> to vector<16xf32>
      %select_n3A_221 = arith.select %eq3A_215, %get3A_220, %select_n3A_212 : vector<16xi1>, vector<16xf32>
      %eq3A_222 = arith.constant 24 : i32
      %eq3A_223 = vector.broadcast %eq3A_222 : i32 to vector<16xi32>
      %eq3A_224 = arith.cmpi eq, %get3A_5, %eq3A_223 : vector<16xi32>
      %get3A_225 = arith.constant 24 : i32
      %get3A_226 = arith.index_cast %get3A_225 : i32 to index
      %get3A_227 = arith.constant 0 : index
      %get3A_228 = tpu.vector_load %arg5[%get3A_226, %get3A_227] {strides = array<i32>} : memref<40x16xf32, #tpu.memory_space<vmem>>, vector<1x16xf32>,
      %get3A_229 = vector.shape_cast %get3A_228 : vector<1x16xf32> to vector<16xf32>
      %select_n3A_230 = arith.select %eq3A_224, %get3A_229, %select_n3A_221 : vector<16xi1>, vector<16xf32>
      %eq3A_231 = arith.constant 25 : i32
      %eq3A_232 = vector.broadcast %eq3A_231 : i32 to vector<16xi32>
      %eq3A_233 = arith.cmpi eq, %get3A_5, %eq3A_232 : vector<16xi32>
      %get3A_234 = arith.constant 25 : i32
      %get3A_235 = arith.index_cast %get3A_234 : i32 to index
      %get3A_236 = arith.constant 0 : index
      %get3A_237 = tpu.vector_load %arg5[%get3A_235, %get3A_236] {strides = array<i32>} : memref<40x16xf32, #tpu.memory_space<vmem>>, vector<1x16xf32>,
      %get3A_238 = vector.shape_cast %get3A_237 : vector<1x16xf32> to vector<16xf32>
      %select_n3A_239 = arith.select %eq3A_233, %get3A_238, %select_n3A_230 : vector<16xi1>, vector<16xf32>
      %eq3A_240 = arith.constant 26 : i32
      %eq3A_241 = vector.broadcast %eq3A_240 : i32 to vector<16xi32>
      %eq3A_242 = arith.cmpi eq, %get3A_5, %eq3A_241 : vector<16xi32>
      %get3A_243 = arith.constant 26 : i32
      %get3A_244 = arith.index_cast %get3A_243 : i32 to index
      %get3A_245 = arith.constant 0 : index
      %get3A_246 = tpu.vector_load %arg5[%get3A_244, %get3A_245] {strides = array<i32>} : memref<40x16xf32, #tpu.memory_space<vmem>>, vector<1x16xf32>,
      %get3A_247 = vector.shape_cast %get3A_246 : vector<1x16xf32> to vector<16xf32>
      %select_n3A_248 = arith.select %eq3A_242, %get3A_247, %select_n3A_239 : vector<16xi1>, vector<16xf32>
      %eq3A_249 = arith.constant 27 : i32
      %eq3A_250 = vector.broadcast %eq3A_249 : i32 to vector<16xi32>
      %eq3A_251 = arith.cmpi eq, %get3A_5, %eq3A_250 : vector<16xi32>
      %get3A_252 = arith.constant 27 : i32
      %get3A_253 = arith.index_cast %get3A_252 : i32 to index
      %get3A_254 = arith.constant 0 : index
      %get3A_255 = tpu.vector_load %arg5[%get3A_253, %get3A_254] {strides = array<i32>} : memref<40x16xf32, #tpu.memory_space<vmem>>, vector<1x16xf32>,
      %get3A_256 = vector.shape_cast %get3A_255 : vector<1x16xf32> to vector<16xf32>
      %select_n3A_257 = arith.select %eq3A_251, %get3A_256, %select_n3A_248 : vector<16xi1>, vector<16xf32>
      %eq3A_258 = arith.constant 28 : i32
      %eq3A_259 = vector.broadcast %eq3A_258 : i32 to vector<16xi32>
      %eq3A_260 = arith.cmpi eq, %get3A_5, %eq3A_259 : vector<16xi32>
      %get3A_261 = arith.constant 28 : i32
      %get3A_262 = arith.index_cast %get3A_261 : i32 to index
      %get3A_263 = arith.constant 0 : index
      %get3A_264 = tpu.vector_load %arg5[%get3A_262, %get3A_263] {strides = array<i32>} : memref<40x16xf32, #tpu.memory_space<vmem>>, vector<1x16xf32>,
      %get3A_265 = vector.shape_cast %get3A_264 : vector<1x16xf32> to vector<16xf32>
      %select_n3A_266 = arith.select %eq3A_260, %get3A_265, %select_n3A_257 : vector<16xi1>, vector<16xf32>
      %eq3A_267 = arith.constant 29 : i32
      %eq3A_268 = vector.broadcast %eq3A_267 : i32 to vector<16xi32>
      %eq3A_269 = arith.cmpi eq, %get3A_5, %eq3A_268 : vector<16xi32>
      %get3A_270 = arith.constant 29 : i32
      %get3A_271 = arith.index_cast %get3A_270 : i32 to index
      %get3A_272 = arith.constant 0 : index
      %get3A_273 = tpu.vector_load %arg5[%get3A_271, %get3A_272] {strides = array<i32>} : memref<40x16xf32, #tpu.memory_space<vmem>>, vector<1x16xf32>,
      %get3A_274 = vector.shape_cast %get3A_273 : vector<1x16xf32> to vector<16xf32>
      %select_n3A_275 = arith.select %eq3A_269, %get3A_274, %select_n3A_266 : vector<16xi1>, vector<16xf32>
      %eq3A_276 = arith.constant 30 : i32
      %eq3A_277 = vector.broadcast %eq3A_276 : i32 to vector<16xi32>
      %eq3A_278 = arith.cmpi eq, %get3A_5, %eq3A_277 : vector<16xi32>
      %get3A_279 = arith.constant 30 : i32
      %get3A_280 = arith.index_cast %get3A_279 : i32 to index
      %get3A_281 = arith.constant 0 : index
      %get3A_282 = tpu.vector_load %arg5[%get3A_280, %get3A_281] {strides = array<i32>} : memref<40x16xf32, #tpu.memory_space<vmem>>, vector<1x16xf32>,
      %get3A_283 = vector.shape_cast %get3A_282 : vector<1x16xf32> to vector<16xf32>
      %select_n3A_284 = arith.select %eq3A_278, %get3A_283, %select_n3A_275 : vector<16xi1>, vector<16xf32>
      %eq3A_285 = arith.constant 31 : i32
      %eq3A_286 = vector.broadcast %eq3A_285 : i32 to vector<16xi32>
      %eq3A_287 = arith.cmpi eq, %get3A_5, %eq3A_286 : vector<16xi32>
      %get3A_288 = arith.constant 31 : i32
      %get3A_289 = arith.index_cast %get3A_288 : i32 to index
      %get3A_290 = arith.constant 0 : index
      %get3A_291 = tpu.vector_load %arg5[%get3A_289, %get3A_290] {strides = array<i32>} : memref<40x16xf32, #tpu.memory_space<vmem>>, vector<1x16xf32>,
      %get3A_292 = vector.shape_cast %get3A_291 : vector<1x16xf32> to vector<16xf32>
      %select_n3A_293 = arith.select %eq3A_287, %get3A_292, %select_n3A_284 : vector<16xi1>, vector<16xf32>
      %eq3A_294 = arith.constant 32 : i32
      %eq3A_295 = vector.broadcast %eq3A_294 : i32 to vector<16xi32>
      %eq3A_296 = arith.cmpi eq, %get3A_5, %eq3A_295 : vector<16xi32>
      %get3A_297 = arith.constant 32 : i32
      %get3A_298 = arith.index_cast %get3A_297 : i32 to index
      %get3A_299 = arith.constant 0 : index
      %get3A_300 = tpu.vector_load %arg5[%get3A_298, %get3A_299] {strides = array<i32>} : memref<40x16xf32, #tpu.memory_space<vmem>>, vector<1x16xf32>,
      %get3A_301 = vector.shape_cast %get3A_300 : vector<1x16xf32> to vector<16xf32>
      %select_n3A_302 = arith.select %eq3A_296, %get3A_301, %select_n3A_293 : vector<16xi1>, vector<16xf32>
      %eq3A_303 = arith.constant 33 : i32
      %eq3A_304 = vector.broadcast %eq3A_303 : i32 to vector<16xi32>
      %eq3A_305 = arith.cmpi eq, %get3A_5, %eq3A_304 : vector<16xi32>
      %get3A_306 = arith.constant 33 : i32
      %get3A_307 = arith.index_cast %get3A_306 : i32 to index
      %get3A_308 = arith.constant 0 : index
      %get3A_309 = tpu.vector_load %arg5[%get3A_307, %get3A_308] {strides = array<i32>} : memref<40x16xf32, #tpu.memory_space<vmem>>, vector<1x16xf32>,
      %get3A_310 = vector.shape_cast %get3A_309 : vector<1x16xf32> to vector<16xf32>
      %select_n3A_311 = arith.select %eq3A_305, %get3A_310, %select_n3A_302 : vector<16xi1>, vector<16xf32>
      %eq3A_312 = arith.constant 34 : i32
      %eq3A_313 = vector.broadcast %eq3A_312 : i32 to vector<16xi32>
      %eq3A_314 = arith.cmpi eq, %get3A_5, %eq3A_313 : vector<16xi32>
      %get3A_315 = arith.constant 34 : i32
      %get3A_316 = arith.index_cast %get3A_315 : i32 to index
      %get3A_317 = arith.constant 0 : index
      %get3A_318 = tpu.vector_load %arg5[%get3A_316, %get3A_317] {strides = array<i32>} : memref<40x16xf32, #tpu.memory_space<vmem>>, vector<1x16xf32>,
      %get3A_319 = vector.shape_cast %get3A_318 : vector<1x16xf32> to vector<16xf32>
      %select_n3A_320 = arith.select %eq3A_314, %get3A_319, %select_n3A_311 : vector<16xi1>, vector<16xf32>
      %eq3A_321 = arith.constant 35 : i32
      %eq3A_322 = vector.broadcast %eq3A_321 : i32 to vector<16xi32>
      %eq3A_323 = arith.cmpi eq, %get3A_5, %eq3A_322 : vector<16xi32>
      %get3A_324 = arith.constant 35 : i32
      %get3A_325 = arith.index_cast %get3A_324 : i32 to index
      %get3A_326 = arith.constant 0 : index
      %get3A_327 = tpu.vector_load %arg5[%get3A_325, %get3A_326] {strides = array<i32>} : memref<40x16xf32, #tpu.memory_space<vmem>>, vector<1x16xf32>,
      %get3A_328 = vector.shape_cast %get3A_327 : vector<1x16xf32> to vector<16xf32>
      %select_n3A_329 = arith.select %eq3A_323, %get3A_328, %select_n3A_320 : vector<16xi1>, vector<16xf32>
      %eq3A_330 = arith.constant 36 : i32
      %eq3A_331 = vector.broadcast %eq3A_330 : i32 to vector<16xi32>
      %eq3A_332 = arith.cmpi eq, %get3A_5, %eq3A_331 : vector<16xi32>
      %get3A_333 = arith.constant 36 : i32
      %get3A_334 = arith.index_cast %get3A_333 : i32 to index
      %get3A_335 = arith.constant 0 : index
      %get3A_336 = tpu.vector_load %arg5[%get3A_334, %get3A_335] {strides = array<i32>} : memref<40x16xf32, #tpu.memory_space<vmem>>, vector<1x16xf32>,
      %get3A_337 = vector.shape_cast %get3A_336 : vector<1x16xf32> to vector<16xf32>
      %select_n3A_338 = arith.select %eq3A_332, %get3A_337, %select_n3A_329 : vector<16xi1>, vector<16xf32>
      %eq3A_339 = arith.constant 37 : i32
      %eq3A_340 = vector.broadcast %eq3A_339 : i32 to vector<16xi32>
      %eq3A_341 = arith.cmpi eq, %get3A_5, %eq3A_340 : vector<16xi32>
      %get3A_342 = arith.constant 37 : i32
      %get3A_343 = arith.index_cast %get3A_342 : i32 to index
      %get3A_344 = arith.constant 0 : index
      %get3A_345 = tpu.vector_load %arg5[%get3A_343, %get3A_344] {strides = array<i32>} : memref<40x16xf32, #tpu.memory_space<vmem>>, vector<1x16xf32>,
      %get3A_346 = vector.shape_cast %get3A_345 : vector<1x16xf32> to vector<16xf32>
      %select_n3A_347 = arith.select %eq3A_341, %get3A_346, %select_n3A_338 : vector<16xi1>, vector<16xf32>
      %eq3A_348 = arith.constant 38 : i32
      %eq3A_349 = vector.broadcast %eq3A_348 : i32 to vector<16xi32>
      %eq3A_350 = arith.cmpi eq, %get3A_5, %eq3A_349 : vector<16xi32>
      %get3A_351 = arith.constant 38 : i32
      %get3A_352 = arith.index_cast %get3A_351 : i32 to index
      %get3A_353 = arith.constant 0 : index
      %get3A_354 = tpu.vector_load %arg5[%get3A_352, %get3A_353] {strides = array<i32>} : memref<40x16xf32, #tpu.memory_space<vmem>>, vector<1x16xf32>,
      %get3A_355 = vector.shape_cast %get3A_354 : vector<1x16xf32> to vector<16xf32>
      %select_n3A_356 = arith.select %eq3A_350, %get3A_355, %select_n3A_347 : vector<16xi1>, vector<16xf32>
      %eq3A_357 = arith.constant 39 : i32
      %eq3A_358 = vector.broadcast %eq3A_357 : i32 to vector<16xi32>
      %eq3A_359 = arith.cmpi eq, %get3A_5, %eq3A_358 : vector<16xi32>
      %get3A_360 = arith.constant 39 : i32
      %get3A_361 = arith.index_cast %get3A_360 : i32 to index
      %get3A_362 = arith.constant 0 : index
      %get3A_363 = tpu.vector_load %arg5[%get3A_361, %get3A_362] {strides = array<i32>} : memref<40x16xf32, #tpu.memory_space<vmem>>, vector<1x16xf32>,
      %get3A_364 = vector.shape_cast %get3A_363 : vector<1x16xf32> to vector<16xf32>
      %select_n3A_365 = arith.select %eq3A_359, %get3A_364, %select_n3A_356 : vector<16xi1>, vector<16xf32>
      %swap3A = arith.constant 0 : index
      %swap3A_366 = tpu.vector_load %arg7[%swap3A] {strides = array<i32>} : memref<16xf32, #tpu.memory_space<vmem>>, vector<16xf32>,
      %swap3A_367 = vector.shape_cast %swap3A_366 : vector<16xf32> to vector<16xf32>
      %swap3A_368 = vector.shape_cast %select_n3A_365 : vector<16xf32> to vector<16xf32>
      tpu.vector_store %arg7[%swap3A], %swap3A_368 {strides = array<i32>} : memref<16xf32, #tpu.memory_space<vmem>>, vector<16xf32>,
      "tpu.region"() ({
        %run_scoped3A = tpu.sem_alloc : memref<!tpu.dma_semaphore, #tpu.memory_space<semaphore_mem>>
        tpu.enqueue_dma source(%arg7 : memref<16xf32, #tpu.memory_space<vmem>>) target(%arg4 : memref<16xf32, #tpu.memory_space<hbm>>) target_semaphore(%run_scoped3A : memref<!tpu.dma_semaphore, #tpu.memory_space<semaphore_mem>>)
        tpu.wait_dma2 semaphore(%run_scoped3A : memref<!tpu.dma_semaphore, #tpu.memory_space<semaphore_mem>>) src(%arg7 : memref<16xf32, #tpu.memory_space<vmem>>) dst(%arg4 : memref<16xf32, #tpu.memory_space<hbm>>)
        tpu.yield
      }) : () -> ()
    } else {
    }
    return
  }
}

module attributes {stable_mosaic.version = 14 : i64} {
  func.func @_chamfer_kernel(%arg0: i32, %arg1: memref<8x2048x8xf32, #tpu.memory_space<vmem>>, %arg2: memref<8x8x2048xf32, #tpu.memory_space<vmem>>, %arg3: memref<1x1xf32, #tpu.memory_space<vmem>>) attributes {dimension_semantics = [#tpu.dimension_semantics<arbitrary>], iteration_bounds = array<i64: 1>, scalar_prefetch = 0 : i64, scratch_operands = 0 : i64, tpu.core_type = #tpu.core_type<tc>, window_params = [{pipeline_mode = #tpu.pipeline_mode<synchronous>, transform_indices = @transform_0, window_bounds = array<i64: 8, 2048, 8>}, {pipeline_mode = #tpu.pipeline_mode<synchronous>, transform_indices = @transform_1, window_bounds = array<i64: 8, 8, 2048>}, {pipeline_mode = #tpu.pipeline_mode<synchronous>, transform_indices = @transform_2, window_bounds = array<i64: 1, 1>}]} {
    %get3A = arith.constant 0 : index
    %get3A_0 = arith.constant 0 : index
    %get3A_1 = arith.constant 0 : index
    %get3A_2 = vector.load %arg1[%get3A, %get3A_0, %get3A_1] : memref<8x2048x8xf32, #tpu.memory_space<vmem>>, vector<1x2048x8xf32>
    %get3A_3 = vector.shape_cast %get3A_2 : vector<1x2048x8xf32> to vector<2048x8xf32>
    %get3A_4 = arith.constant 0 : index
    %get3A_5 = arith.constant 0 : index
    %get3A_6 = arith.constant 0 : index
    %get3A_7 = vector.load %arg2[%get3A_4, %get3A_5, %get3A_6] : memref<8x8x2048xf32, #tpu.memory_space<vmem>>, vector<1x8x2048xf32>
    %get3A_8 = vector.shape_cast %get3A_7 : vector<1x8x2048xf32> to vector<8x2048xf32>
    %mul3A = arith.mulf %get3A_3, %get3A_3 : vector<2048x8xf32>
    %reduce_sum3A = arith.constant dense<0.000000e+00> : vector<2048xf32>
    %reduce_sum3A_9 = vector.multi_reduction <add>, %mul3A, %reduce_sum3A [1] : vector<2048x8xf32> to vector<2048xf32>
    %broadcast_in_dim3A = vector.shape_cast %reduce_sum3A_9 : vector<2048xf32> to vector<2048x1xf32>
    %mul3A_10 = arith.mulf %get3A_8, %get3A_8 : vector<8x2048xf32>
    %reduce_sum3A_11 = arith.constant dense<0.000000e+00> : vector<2048xf32>
    %reduce_sum3A_12 = vector.multi_reduction <add>, %mul3A_10, %reduce_sum3A_11 [0] : vector<8x2048xf32> to vector<2048xf32>
    %broadcast_in_dim3A_13 = vector.shape_cast %reduce_sum3A_12 : vector<2048xf32> to vector<1x2048xf32>
    %mul3A_14 = arith.constant -2.000000e+00 : f32
    %mul3A_15 = vector.broadcast %mul3A_14 : f32 to vector<2048x8xf32>
    %mul3A_16 = arith.mulf %mul3A_15, %get3A_3 : vector<2048x8xf32>
    %dot_general3A = arith.constant dense<0.000000e+00> : vector<2048x2048xf32>
    %dot_general3A_17 = tpu.matmul %mul3A_16, %get3A_8, %dot_general3A {dimension_numbers = #tpu.dot_dimension_numbers<[1], [0], [0], [1], [0, 0, 1, 1], [], []>, transpose_lhs_hint = false} : vector<2048x8xf32>, vector<8x2048xf32>, vector<2048x2048xf32> -> vector<2048x2048xf32>
    %add3A = vector.broadcast %broadcast_in_dim3A_13 : vector<1x2048xf32> to vector<2048x2048xf32>
    %add3A_18 = arith.addf %add3A, %dot_general3A_17 : vector<2048x2048xf32>
    %reduce_min3A = arith.constant dense<0x7F800000> : vector<2048xf32>
    %reduce_min3A_19 = vector.multi_reduction <minimumf>, %add3A_18, %reduce_min3A [1] : vector<2048x2048xf32> to vector<2048xf32>
    %broadcast_in_dim3A_20 = vector.shape_cast %reduce_min3A_19 : vector<2048xf32> to vector<2048x1xf32>
    %add3A_21 = vector.broadcast %broadcast_in_dim3A : vector<2048x1xf32> to vector<2048x2048xf32>
    %add3A_22 = arith.addf %add3A_21, %dot_general3A_17 : vector<2048x2048xf32>
    %reduce_min3A_23 = arith.constant dense<0x7F800000> : vector<2048xf32>
    %reduce_min3A_24 = vector.multi_reduction <minimumf>, %add3A_22, %reduce_min3A_23 [0] : vector<2048x2048xf32> to vector<2048xf32>
    %broadcast_in_dim3A_25 = vector.shape_cast %reduce_min3A_24 : vector<2048xf32> to vector<1x2048xf32>
    %add3A_26 = arith.addf %broadcast_in_dim3A, %broadcast_in_dim3A_20 : vector<2048x1xf32>
    %max3A = arith.constant 0.000000e+00 : f32
    %max3A_27 = vector.broadcast %max3A : f32 to vector<2048x1xf32>
    %max3A_28 = arith.maximumf %add3A_26, %max3A_27 : vector<2048x1xf32>
    %reduce_sum3A_29 = vector.shape_cast %max3A_28 : vector<2048x1xf32> to vector<1x2048x1xf32>
    %reduce_sum3A_30 = arith.constant dense<0.000000e+00> : vector<1xf32>
    %reduce_sum3A_31 = vector.multi_reduction <add>, %reduce_sum3A_29, %reduce_sum3A_30 [1, 2] : vector<1x2048x1xf32> to vector<1xf32>
    %reduce_sum3A_32 = vector.shape_cast %reduce_sum3A_31 : vector<1xf32> to vector<1x1x1xf32>
    %reduce_sum3A_33 = vector.extract %reduce_sum3A_32[0, 0, 0] : f32 from vector<1x1x1xf32>
    %add3A_34 = arith.addf %broadcast_in_dim3A_13, %broadcast_in_dim3A_25 : vector<1x2048xf32>
    %max3A_35 = arith.constant 0.000000e+00 : f32
    %max3A_36 = vector.broadcast %max3A_35 : f32 to vector<1x2048xf32>
    %max3A_37 = arith.maximumf %add3A_34, %max3A_36 : vector<1x2048xf32>
    %reduce_sum3A_38 = vector.shape_cast %max3A_37 : vector<1x2048xf32> to vector<1x1x2048xf32>
    %reduce_sum3A_39 = arith.constant dense<0.000000e+00> : vector<1xf32>
    %reduce_sum3A_40 = vector.multi_reduction <add>, %reduce_sum3A_38, %reduce_sum3A_39 [1, 2] : vector<1x1x2048xf32> to vector<1xf32>
    %reduce_sum3A_41 = vector.shape_cast %reduce_sum3A_40 : vector<1xf32> to vector<1x1x1xf32>
    %reduce_sum3A_42 = vector.extract %reduce_sum3A_41[0, 0, 0] : f32 from vector<1x1x1xf32>
    %add3A_43 = arith.addf %reduce_sum3A_33, %reduce_sum3A_42 : f32
    %div3A = arith.constant 1.638400e+04 : f32
    %div3A_44 = arith.divf %add3A_43, %div3A : f32
    %add3A_45 = arith.constant 0.000000e+00 : f32
    %add3A_46 = arith.addf %add3A_45, %div3A_44 : f32
    %get3A_47 = arith.constant 1 : index
    %get3A_48 = arith.constant 0 : index
    %get3A_49 = arith.constant 0 : index
    %get3A_50 = vector.load %arg1[%get3A_47, %get3A_48, %get3A_49] : memref<8x2048x8xf32, #tpu.memory_space<vmem>>, vector<1x2048x8xf32>
    %get3A_51 = vector.shape_cast %get3A_50 : vector<1x2048x8xf32> to vector<2048x8xf32>
    %get3A_52 = arith.constant 1 : index
    %get3A_53 = arith.constant 0 : index
    %get3A_54 = arith.constant 0 : index
    %get3A_55 = vector.load %arg2[%get3A_52, %get3A_53, %get3A_54] : memref<8x8x2048xf32, #tpu.memory_space<vmem>>, vector<1x8x2048xf32>
    %get3A_56 = vector.shape_cast %get3A_55 : vector<1x8x2048xf32> to vector<8x2048xf32>
    %mul3A_57 = arith.mulf %get3A_51, %get3A_51 : vector<2048x8xf32>
    %reduce_sum3A_58 = arith.constant dense<0.000000e+00> : vector<2048xf32>
    %reduce_sum3A_59 = vector.multi_reduction <add>, %mul3A_57, %reduce_sum3A_58 [1] : vector<2048x8xf32> to vector<2048xf32>
    %broadcast_in_dim3A_60 = vector.shape_cast %reduce_sum3A_59 : vector<2048xf32> to vector<2048x1xf32>
    %mul3A_61 = arith.mulf %get3A_56, %get3A_56 : vector<8x2048xf32>
    %reduce_sum3A_62 = arith.constant dense<0.000000e+00> : vector<2048xf32>
    %reduce_sum3A_63 = vector.multi_reduction <add>, %mul3A_61, %reduce_sum3A_62 [0] : vector<8x2048xf32> to vector<2048xf32>
    %broadcast_in_dim3A_64 = vector.shape_cast %reduce_sum3A_63 : vector<2048xf32> to vector<1x2048xf32>
    %mul3A_65 = arith.constant -2.000000e+00 : f32
    %mul3A_66 = vector.broadcast %mul3A_65 : f32 to vector<2048x8xf32>
    %mul3A_67 = arith.mulf %mul3A_66, %get3A_51 : vector<2048x8xf32>
    %dot_general3A_68 = arith.constant dense<0.000000e+00> : vector<2048x2048xf32>
    %dot_general3A_69 = tpu.matmul %mul3A_67, %get3A_56, %dot_general3A_68 {dimension_numbers = #tpu.dot_dimension_numbers<[1], [0], [0], [1], [0, 0, 1, 1], [], []>, transpose_lhs_hint = false} : vector<2048x8xf32>, vector<8x2048xf32>, vector<2048x2048xf32> -> vector<2048x2048xf32>
    %add3A_70 = vector.broadcast %broadcast_in_dim3A_64 : vector<1x2048xf32> to vector<2048x2048xf32>
    %add3A_71 = arith.addf %add3A_70, %dot_general3A_69 : vector<2048x2048xf32>
    %reduce_min3A_72 = arith.constant dense<0x7F800000> : vector<2048xf32>
    %reduce_min3A_73 = vector.multi_reduction <minimumf>, %add3A_71, %reduce_min3A_72 [1] : vector<2048x2048xf32> to vector<2048xf32>
    %broadcast_in_dim3A_74 = vector.shape_cast %reduce_min3A_73 : vector<2048xf32> to vector<2048x1xf32>
    %add3A_75 = vector.broadcast %broadcast_in_dim3A_60 : vector<2048x1xf32> to vector<2048x2048xf32>
    %add3A_76 = arith.addf %add3A_75, %dot_general3A_69 : vector<2048x2048xf32>
    %reduce_min3A_77 = arith.constant dense<0x7F800000> : vector<2048xf32>
    %reduce_min3A_78 = vector.multi_reduction <minimumf>, %add3A_76, %reduce_min3A_77 [0] : vector<2048x2048xf32> to vector<2048xf32>
    %broadcast_in_dim3A_79 = vector.shape_cast %reduce_min3A_78 : vector<2048xf32> to vector<1x2048xf32>
    %add3A_80 = arith.addf %broadcast_in_dim3A_60, %broadcast_in_dim3A_74 : vector<2048x1xf32>
    %max3A_81 = arith.constant 0.000000e+00 : f32
    %max3A_82 = vector.broadcast %max3A_81 : f32 to vector<2048x1xf32>
    %max3A_83 = arith.maximumf %add3A_80, %max3A_82 : vector<2048x1xf32>
    %reduce_sum3A_84 = vector.shape_cast %max3A_83 : vector<2048x1xf32> to vector<1x2048x1xf32>
    %reduce_sum3A_85 = arith.constant dense<0.000000e+00> : vector<1xf32>
    %reduce_sum3A_86 = vector.multi_reduction <add>, %reduce_sum3A_84, %reduce_sum3A_85 [1, 2] : vector<1x2048x1xf32> to vector<1xf32>
    %reduce_sum3A_87 = vector.shape_cast %reduce_sum3A_86 : vector<1xf32> to vector<1x1x1xf32>
    %reduce_sum3A_88 = vector.extract %reduce_sum3A_87[0, 0, 0] : f32 from vector<1x1x1xf32>
    %add3A_89 = arith.addf %broadcast_in_dim3A_64, %broadcast_in_dim3A_79 : vector<1x2048xf32>
    %max3A_90 = arith.constant 0.000000e+00 : f32
    %max3A_91 = vector.broadcast %max3A_90 : f32 to vector<1x2048xf32>
    %max3A_92 = arith.maximumf %add3A_89, %max3A_91 : vector<1x2048xf32>
    %reduce_sum3A_93 = vector.shape_cast %max3A_92 : vector<1x2048xf32> to vector<1x1x2048xf32>
    %reduce_sum3A_94 = arith.constant dense<0.000000e+00> : vector<1xf32>
    %reduce_sum3A_95 = vector.multi_reduction <add>, %reduce_sum3A_93, %reduce_sum3A_94 [1, 2] : vector<1x1x2048xf32> to vector<1xf32>
    %reduce_sum3A_96 = vector.shape_cast %reduce_sum3A_95 : vector<1xf32> to vector<1x1x1xf32>
    %reduce_sum3A_97 = vector.extract %reduce_sum3A_96[0, 0, 0] : f32 from vector<1x1x1xf32>
    %add3A_98 = arith.addf %reduce_sum3A_88, %reduce_sum3A_97 : f32
    %div3A_99 = arith.constant 1.638400e+04 : f32
    %div3A_100 = arith.divf %add3A_98, %div3A_99 : f32
    %add3A_101 = arith.addf %add3A_46, %div3A_100 : f32
    %get3A_102 = arith.constant 2 : index
    %get3A_103 = arith.constant 0 : index
    %get3A_104 = arith.constant 0 : index
    %get3A_105 = vector.load %arg1[%get3A_102, %get3A_103, %get3A_104] : memref<8x2048x8xf32, #tpu.memory_space<vmem>>, vector<1x2048x8xf32>
    %get3A_106 = vector.shape_cast %get3A_105 : vector<1x2048x8xf32> to vector<2048x8xf32>
    %get3A_107 = arith.constant 2 : index
    %get3A_108 = arith.constant 0 : index
    %get3A_109 = arith.constant 0 : index
    %get3A_110 = vector.load %arg2[%get3A_107, %get3A_108, %get3A_109] : memref<8x8x2048xf32, #tpu.memory_space<vmem>>, vector<1x8x2048xf32>
    %get3A_111 = vector.shape_cast %get3A_110 : vector<1x8x2048xf32> to vector<8x2048xf32>
    %mul3A_112 = arith.mulf %get3A_106, %get3A_106 : vector<2048x8xf32>
    %reduce_sum3A_113 = arith.constant dense<0.000000e+00> : vector<2048xf32>
    %reduce_sum3A_114 = vector.multi_reduction <add>, %mul3A_112, %reduce_sum3A_113 [1] : vector<2048x8xf32> to vector<2048xf32>
    %broadcast_in_dim3A_115 = vector.shape_cast %reduce_sum3A_114 : vector<2048xf32> to vector<2048x1xf32>
    %mul3A_116 = arith.mulf %get3A_111, %get3A_111 : vector<8x2048xf32>
    %reduce_sum3A_117 = arith.constant dense<0.000000e+00> : vector<2048xf32>
    %reduce_sum3A_118 = vector.multi_reduction <add>, %mul3A_116, %reduce_sum3A_117 [0] : vector<8x2048xf32> to vector<2048xf32>
    %broadcast_in_dim3A_119 = vector.shape_cast %reduce_sum3A_118 : vector<2048xf32> to vector<1x2048xf32>
    %mul3A_120 = arith.constant -2.000000e+00 : f32
    %mul3A_121 = vector.broadcast %mul3A_120 : f32 to vector<2048x8xf32>
    %mul3A_122 = arith.mulf %mul3A_121, %get3A_106 : vector<2048x8xf32>
    %dot_general3A_123 = arith.constant dense<0.000000e+00> : vector<2048x2048xf32>
    %dot_general3A_124 = tpu.matmul %mul3A_122, %get3A_111, %dot_general3A_123 {dimension_numbers = #tpu.dot_dimension_numbers<[1], [0], [0], [1], [0, 0, 1, 1], [], []>, transpose_lhs_hint = false} : vector<2048x8xf32>, vector<8x2048xf32>, vector<2048x2048xf32> -> vector<2048x2048xf32>
    %add3A_125 = vector.broadcast %broadcast_in_dim3A_119 : vector<1x2048xf32> to vector<2048x2048xf32>
    %add3A_126 = arith.addf %add3A_125, %dot_general3A_124 : vector<2048x2048xf32>
    %reduce_min3A_127 = arith.constant dense<0x7F800000> : vector<2048xf32>
    %reduce_min3A_128 = vector.multi_reduction <minimumf>, %add3A_126, %reduce_min3A_127 [1] : vector<2048x2048xf32> to vector<2048xf32>
    %broadcast_in_dim3A_129 = vector.shape_cast %reduce_min3A_128 : vector<2048xf32> to vector<2048x1xf32>
    %add3A_130 = vector.broadcast %broadcast_in_dim3A_115 : vector<2048x1xf32> to vector<2048x2048xf32>
    %add3A_131 = arith.addf %add3A_130, %dot_general3A_124 : vector<2048x2048xf32>
    %reduce_min3A_132 = arith.constant dense<0x7F800000> : vector<2048xf32>
    %reduce_min3A_133 = vector.multi_reduction <minimumf>, %add3A_131, %reduce_min3A_132 [0] : vector<2048x2048xf32> to vector<2048xf32>
    %broadcast_in_dim3A_134 = vector.shape_cast %reduce_min3A_133 : vector<2048xf32> to vector<1x2048xf32>
    %add3A_135 = arith.addf %broadcast_in_dim3A_115, %broadcast_in_dim3A_129 : vector<2048x1xf32>
    %max3A_136 = arith.constant 0.000000e+00 : f32
    %max3A_137 = vector.broadcast %max3A_136 : f32 to vector<2048x1xf32>
    %max3A_138 = arith.maximumf %add3A_135, %max3A_137 : vector<2048x1xf32>
    %reduce_sum3A_139 = vector.shape_cast %max3A_138 : vector<2048x1xf32> to vector<1x2048x1xf32>
    %reduce_sum3A_140 = arith.constant dense<0.000000e+00> : vector<1xf32>
    %reduce_sum3A_141 = vector.multi_reduction <add>, %reduce_sum3A_139, %reduce_sum3A_140 [1, 2] : vector<1x2048x1xf32> to vector<1xf32>
    %reduce_sum3A_142 = vector.shape_cast %reduce_sum3A_141 : vector<1xf32> to vector<1x1x1xf32>
    %reduce_sum3A_143 = vector.extract %reduce_sum3A_142[0, 0, 0] : f32 from vector<1x1x1xf32>
    %add3A_144 = arith.addf %broadcast_in_dim3A_119, %broadcast_in_dim3A_134 : vector<1x2048xf32>
    %max3A_145 = arith.constant 0.000000e+00 : f32
    %max3A_146 = vector.broadcast %max3A_145 : f32 to vector<1x2048xf32>
    %max3A_147 = arith.maximumf %add3A_144, %max3A_146 : vector<1x2048xf32>
    %reduce_sum3A_148 = vector.shape_cast %max3A_147 : vector<1x2048xf32> to vector<1x1x2048xf32>
    %reduce_sum3A_149 = arith.constant dense<0.000000e+00> : vector<1xf32>
    %reduce_sum3A_150 = vector.multi_reduction <add>, %reduce_sum3A_148, %reduce_sum3A_149 [1, 2] : vector<1x1x2048xf32> to vector<1xf32>
    %reduce_sum3A_151 = vector.shape_cast %reduce_sum3A_150 : vector<1xf32> to vector<1x1x1xf32>
    %reduce_sum3A_152 = vector.extract %reduce_sum3A_151[0, 0, 0] : f32 from vector<1x1x1xf32>
    %add3A_153 = arith.addf %reduce_sum3A_143, %reduce_sum3A_152 : f32
    %div3A_154 = arith.constant 1.638400e+04 : f32
    %div3A_155 = arith.divf %add3A_153, %div3A_154 : f32
    %add3A_156 = arith.addf %add3A_101, %div3A_155 : f32
    %get3A_157 = arith.constant 3 : index
    %get3A_158 = arith.constant 0 : index
    %get3A_159 = arith.constant 0 : index
    %get3A_160 = vector.load %arg1[%get3A_157, %get3A_158, %get3A_159] : memref<8x2048x8xf32, #tpu.memory_space<vmem>>, vector<1x2048x8xf32>
    %get3A_161 = vector.shape_cast %get3A_160 : vector<1x2048x8xf32> to vector<2048x8xf32>
    %get3A_162 = arith.constant 3 : index
    %get3A_163 = arith.constant 0 : index
    %get3A_164 = arith.constant 0 : index
    %get3A_165 = vector.load %arg2[%get3A_162, %get3A_163, %get3A_164] : memref<8x8x2048xf32, #tpu.memory_space<vmem>>, vector<1x8x2048xf32>
    %get3A_166 = vector.shape_cast %get3A_165 : vector<1x8x2048xf32> to vector<8x2048xf32>
    %mul3A_167 = arith.mulf %get3A_161, %get3A_161 : vector<2048x8xf32>
    %reduce_sum3A_168 = arith.constant dense<0.000000e+00> : vector<2048xf32>
    %reduce_sum3A_169 = vector.multi_reduction <add>, %mul3A_167, %reduce_sum3A_168 [1] : vector<2048x8xf32> to vector<2048xf32>
    %broadcast_in_dim3A_170 = vector.shape_cast %reduce_sum3A_169 : vector<2048xf32> to vector<2048x1xf32>
    %mul3A_171 = arith.mulf %get3A_166, %get3A_166 : vector<8x2048xf32>
    %reduce_sum3A_172 = arith.constant dense<0.000000e+00> : vector<2048xf32>
    %reduce_sum3A_173 = vector.multi_reduction <add>, %mul3A_171, %reduce_sum3A_172 [0] : vector<8x2048xf32> to vector<2048xf32>
    %broadcast_in_dim3A_174 = vector.shape_cast %reduce_sum3A_173 : vector<2048xf32> to vector<1x2048xf32>
    %mul3A_175 = arith.constant -2.000000e+00 : f32
    %mul3A_176 = vector.broadcast %mul3A_175 : f32 to vector<2048x8xf32>
    %mul3A_177 = arith.mulf %mul3A_176, %get3A_161 : vector<2048x8xf32>
    %dot_general3A_178 = arith.constant dense<0.000000e+00> : vector<2048x2048xf32>
    %dot_general3A_179 = tpu.matmul %mul3A_177, %get3A_166, %dot_general3A_178 {dimension_numbers = #tpu.dot_dimension_numbers<[1], [0], [0], [1], [0, 0, 1, 1], [], []>, transpose_lhs_hint = false} : vector<2048x8xf32>, vector<8x2048xf32>, vector<2048x2048xf32> -> vector<2048x2048xf32>
    %add3A_180 = vector.broadcast %broadcast_in_dim3A_174 : vector<1x2048xf32> to vector<2048x2048xf32>
    %add3A_181 = arith.addf %add3A_180, %dot_general3A_179 : vector<2048x2048xf32>
    %reduce_min3A_182 = arith.constant dense<0x7F800000> : vector<2048xf32>
    %reduce_min3A_183 = vector.multi_reduction <minimumf>, %add3A_181, %reduce_min3A_182 [1] : vector<2048x2048xf32> to vector<2048xf32>
    %broadcast_in_dim3A_184 = vector.shape_cast %reduce_min3A_183 : vector<2048xf32> to vector<2048x1xf32>
    %add3A_185 = vector.broadcast %broadcast_in_dim3A_170 : vector<2048x1xf32> to vector<2048x2048xf32>
    %add3A_186 = arith.addf %add3A_185, %dot_general3A_179 : vector<2048x2048xf32>
    %reduce_min3A_187 = arith.constant dense<0x7F800000> : vector<2048xf32>
    %reduce_min3A_188 = vector.multi_reduction <minimumf>, %add3A_186, %reduce_min3A_187 [0] : vector<2048x2048xf32> to vector<2048xf32>
    %broadcast_in_dim3A_189 = vector.shape_cast %reduce_min3A_188 : vector<2048xf32> to vector<1x2048xf32>
    %add3A_190 = arith.addf %broadcast_in_dim3A_170, %broadcast_in_dim3A_184 : vector<2048x1xf32>
    %max3A_191 = arith.constant 0.000000e+00 : f32
    %max3A_192 = vector.broadcast %max3A_191 : f32 to vector<2048x1xf32>
    %max3A_193 = arith.maximumf %add3A_190, %max3A_192 : vector<2048x1xf32>
    %reduce_sum3A_194 = vector.shape_cast %max3A_193 : vector<2048x1xf32> to vector<1x2048x1xf32>
    %reduce_sum3A_195 = arith.constant dense<0.000000e+00> : vector<1xf32>
    %reduce_sum3A_196 = vector.multi_reduction <add>, %reduce_sum3A_194, %reduce_sum3A_195 [1, 2] : vector<1x2048x1xf32> to vector<1xf32>
    %reduce_sum3A_197 = vector.shape_cast %reduce_sum3A_196 : vector<1xf32> to vector<1x1x1xf32>
    %reduce_sum3A_198 = vector.extract %reduce_sum3A_197[0, 0, 0] : f32 from vector<1x1x1xf32>
    %add3A_199 = arith.addf %broadcast_in_dim3A_174, %broadcast_in_dim3A_189 : vector<1x2048xf32>
    %max3A_200 = arith.constant 0.000000e+00 : f32
    %max3A_201 = vector.broadcast %max3A_200 : f32 to vector<1x2048xf32>
    %max3A_202 = arith.maximumf %add3A_199, %max3A_201 : vector<1x2048xf32>
    %reduce_sum3A_203 = vector.shape_cast %max3A_202 : vector<1x2048xf32> to vector<1x1x2048xf32>
    %reduce_sum3A_204 = arith.constant dense<0.000000e+00> : vector<1xf32>
    %reduce_sum3A_205 = vector.multi_reduction <add>, %reduce_sum3A_203, %reduce_sum3A_204 [1, 2] : vector<1x1x2048xf32> to vector<1xf32>
    %reduce_sum3A_206 = vector.shape_cast %reduce_sum3A_205 : vector<1xf32> to vector<1x1x1xf32>
    %reduce_sum3A_207 = vector.extract %reduce_sum3A_206[0, 0, 0] : f32 from vector<1x1x1xf32>
    %add3A_208 = arith.addf %reduce_sum3A_198, %reduce_sum3A_207 : f32
    %div3A_209 = arith.constant 1.638400e+04 : f32
    %div3A_210 = arith.divf %add3A_208, %div3A_209 : f32
    %add3A_211 = arith.addf %add3A_156, %div3A_210 : f32
    %get3A_212 = arith.constant 4 : index
    %get3A_213 = arith.constant 0 : index
    %get3A_214 = arith.constant 0 : index
    %get3A_215 = vector.load %arg1[%get3A_212, %get3A_213, %get3A_214] : memref<8x2048x8xf32, #tpu.memory_space<vmem>>, vector<1x2048x8xf32>
    %get3A_216 = vector.shape_cast %get3A_215 : vector<1x2048x8xf32> to vector<2048x8xf32>
    %get3A_217 = arith.constant 4 : index
    %get3A_218 = arith.constant 0 : index
    %get3A_219 = arith.constant 0 : index
    %get3A_220 = vector.load %arg2[%get3A_217, %get3A_218, %get3A_219] : memref<8x8x2048xf32, #tpu.memory_space<vmem>>, vector<1x8x2048xf32>
    %get3A_221 = vector.shape_cast %get3A_220 : vector<1x8x2048xf32> to vector<8x2048xf32>
    %mul3A_222 = arith.mulf %get3A_216, %get3A_216 : vector<2048x8xf32>
    %reduce_sum3A_223 = arith.constant dense<0.000000e+00> : vector<2048xf32>
    %reduce_sum3A_224 = vector.multi_reduction <add>, %mul3A_222, %reduce_sum3A_223 [1] : vector<2048x8xf32> to vector<2048xf32>
    %broadcast_in_dim3A_225 = vector.shape_cast %reduce_sum3A_224 : vector<2048xf32> to vector<2048x1xf32>
    %mul3A_226 = arith.mulf %get3A_221, %get3A_221 : vector<8x2048xf32>
    %reduce_sum3A_227 = arith.constant dense<0.000000e+00> : vector<2048xf32>
    %reduce_sum3A_228 = vector.multi_reduction <add>, %mul3A_226, %reduce_sum3A_227 [0] : vector<8x2048xf32> to vector<2048xf32>
    %broadcast_in_dim3A_229 = vector.shape_cast %reduce_sum3A_228 : vector<2048xf32> to vector<1x2048xf32>
    %mul3A_230 = arith.constant -2.000000e+00 : f32
    %mul3A_231 = vector.broadcast %mul3A_230 : f32 to vector<2048x8xf32>
    %mul3A_232 = arith.mulf %mul3A_231, %get3A_216 : vector<2048x8xf32>
    %dot_general3A_233 = arith.constant dense<0.000000e+00> : vector<2048x2048xf32>
    %dot_general3A_234 = tpu.matmul %mul3A_232, %get3A_221, %dot_general3A_233 {dimension_numbers = #tpu.dot_dimension_numbers<[1], [0], [0], [1], [0, 0, 1, 1], [], []>, transpose_lhs_hint = false} : vector<2048x8xf32>, vector<8x2048xf32>, vector<2048x2048xf32> -> vector<2048x2048xf32>
    %add3A_235 = vector.broadcast %broadcast_in_dim3A_229 : vector<1x2048xf32> to vector<2048x2048xf32>
    %add3A_236 = arith.addf %add3A_235, %dot_general3A_234 : vector<2048x2048xf32>
    %reduce_min3A_237 = arith.constant dense<0x7F800000> : vector<2048xf32>
    %reduce_min3A_238 = vector.multi_reduction <minimumf>, %add3A_236, %reduce_min3A_237 [1] : vector<2048x2048xf32> to vector<2048xf32>
    %broadcast_in_dim3A_239 = vector.shape_cast %reduce_min3A_238 : vector<2048xf32> to vector<2048x1xf32>
    %add3A_240 = vector.broadcast %broadcast_in_dim3A_225 : vector<2048x1xf32> to vector<2048x2048xf32>
    %add3A_241 = arith.addf %add3A_240, %dot_general3A_234 : vector<2048x2048xf32>
    %reduce_min3A_242 = arith.constant dense<0x7F800000> : vector<2048xf32>
    %reduce_min3A_243 = vector.multi_reduction <minimumf>, %add3A_241, %reduce_min3A_242 [0] : vector<2048x2048xf32> to vector<2048xf32>
    %broadcast_in_dim3A_244 = vector.shape_cast %reduce_min3A_243 : vector<2048xf32> to vector<1x2048xf32>
    %add3A_245 = arith.addf %broadcast_in_dim3A_225, %broadcast_in_dim3A_239 : vector<2048x1xf32>
    %max3A_246 = arith.constant 0.000000e+00 : f32
    %max3A_247 = vector.broadcast %max3A_246 : f32 to vector<2048x1xf32>
    %max3A_248 = arith.maximumf %add3A_245, %max3A_247 : vector<2048x1xf32>
    %reduce_sum3A_249 = vector.shape_cast %max3A_248 : vector<2048x1xf32> to vector<1x2048x1xf32>
    %reduce_sum3A_250 = arith.constant dense<0.000000e+00> : vector<1xf32>
    %reduce_sum3A_251 = vector.multi_reduction <add>, %reduce_sum3A_249, %reduce_sum3A_250 [1, 2] : vector<1x2048x1xf32> to vector<1xf32>
    %reduce_sum3A_252 = vector.shape_cast %reduce_sum3A_251 : vector<1xf32> to vector<1x1x1xf32>
    %reduce_sum3A_253 = vector.extract %reduce_sum3A_252[0, 0, 0] : f32 from vector<1x1x1xf32>
    %add3A_254 = arith.addf %broadcast_in_dim3A_229, %broadcast_in_dim3A_244 : vector<1x2048xf32>
    %max3A_255 = arith.constant 0.000000e+00 : f32
    %max3A_256 = vector.broadcast %max3A_255 : f32 to vector<1x2048xf32>
    %max3A_257 = arith.maximumf %add3A_254, %max3A_256 : vector<1x2048xf32>
    %reduce_sum3A_258 = vector.shape_cast %max3A_257 : vector<1x2048xf32> to vector<1x1x2048xf32>
    %reduce_sum3A_259 = arith.constant dense<0.000000e+00> : vector<1xf32>
    %reduce_sum3A_260 = vector.multi_reduction <add>, %reduce_sum3A_258, %reduce_sum3A_259 [1, 2] : vector<1x1x2048xf32> to vector<1xf32>
    %reduce_sum3A_261 = vector.shape_cast %reduce_sum3A_260 : vector<1xf32> to vector<1x1x1xf32>
    %reduce_sum3A_262 = vector.extract %reduce_sum3A_261[0, 0, 0] : f32 from vector<1x1x1xf32>
    %add3A_263 = arith.addf %reduce_sum3A_253, %reduce_sum3A_262 : f32
    %div3A_264 = arith.constant 1.638400e+04 : f32
    %div3A_265 = arith.divf %add3A_263, %div3A_264 : f32
    %add3A_266 = arith.addf %add3A_211, %div3A_265 : f32
    %get3A_267 = arith.constant 5 : index
    %get3A_268 = arith.constant 0 : index
    %get3A_269 = arith.constant 0 : index
    %get3A_270 = vector.load %arg1[%get3A_267, %get3A_268, %get3A_269] : memref<8x2048x8xf32, #tpu.memory_space<vmem>>, vector<1x2048x8xf32>
    %get3A_271 = vector.shape_cast %get3A_270 : vector<1x2048x8xf32> to vector<2048x8xf32>
    %get3A_272 = arith.constant 5 : index
    %get3A_273 = arith.constant 0 : index
    %get3A_274 = arith.constant 0 : index
    %get3A_275 = vector.load %arg2[%get3A_272, %get3A_273, %get3A_274] : memref<8x8x2048xf32, #tpu.memory_space<vmem>>, vector<1x8x2048xf32>
    %get3A_276 = vector.shape_cast %get3A_275 : vector<1x8x2048xf32> to vector<8x2048xf32>
    %mul3A_277 = arith.mulf %get3A_271, %get3A_271 : vector<2048x8xf32>
    %reduce_sum3A_278 = arith.constant dense<0.000000e+00> : vector<2048xf32>
    %reduce_sum3A_279 = vector.multi_reduction <add>, %mul3A_277, %reduce_sum3A_278 [1] : vector<2048x8xf32> to vector<2048xf32>
    %broadcast_in_dim3A_280 = vector.shape_cast %reduce_sum3A_279 : vector<2048xf32> to vector<2048x1xf32>
    %mul3A_281 = arith.mulf %get3A_276, %get3A_276 : vector<8x2048xf32>
    %reduce_sum3A_282 = arith.constant dense<0.000000e+00> : vector<2048xf32>
    %reduce_sum3A_283 = vector.multi_reduction <add>, %mul3A_281, %reduce_sum3A_282 [0] : vector<8x2048xf32> to vector<2048xf32>
    %broadcast_in_dim3A_284 = vector.shape_cast %reduce_sum3A_283 : vector<2048xf32> to vector<1x2048xf32>
    %mul3A_285 = arith.constant -2.000000e+00 : f32
    %mul3A_286 = vector.broadcast %mul3A_285 : f32 to vector<2048x8xf32>
    %mul3A_287 = arith.mulf %mul3A_286, %get3A_271 : vector<2048x8xf32>
    %dot_general3A_288 = arith.constant dense<0.000000e+00> : vector<2048x2048xf32>
    %dot_general3A_289 = tpu.matmul %mul3A_287, %get3A_276, %dot_general3A_288 {dimension_numbers = #tpu.dot_dimension_numbers<[1], [0], [0], [1], [0, 0, 1, 1], [], []>, transpose_lhs_hint = false} : vector<2048x8xf32>, vector<8x2048xf32>, vector<2048x2048xf32> -> vector<2048x2048xf32>
    %add3A_290 = vector.broadcast %broadcast_in_dim3A_284 : vector<1x2048xf32> to vector<2048x2048xf32>
    %add3A_291 = arith.addf %add3A_290, %dot_general3A_289 : vector<2048x2048xf32>
    %reduce_min3A_292 = arith.constant dense<0x7F800000> : vector<2048xf32>
    %reduce_min3A_293 = vector.multi_reduction <minimumf>, %add3A_291, %reduce_min3A_292 [1] : vector<2048x2048xf32> to vector<2048xf32>
    %broadcast_in_dim3A_294 = vector.shape_cast %reduce_min3A_293 : vector<2048xf32> to vector<2048x1xf32>
    %add3A_295 = vector.broadcast %broadcast_in_dim3A_280 : vector<2048x1xf32> to vector<2048x2048xf32>
    %add3A_296 = arith.addf %add3A_295, %dot_general3A_289 : vector<2048x2048xf32>
    %reduce_min3A_297 = arith.constant dense<0x7F800000> : vector<2048xf32>
    %reduce_min3A_298 = vector.multi_reduction <minimumf>, %add3A_296, %reduce_min3A_297 [0] : vector<2048x2048xf32> to vector<2048xf32>
    %broadcast_in_dim3A_299 = vector.shape_cast %reduce_min3A_298 : vector<2048xf32> to vector<1x2048xf32>
    %add3A_300 = arith.addf %broadcast_in_dim3A_280, %broadcast_in_dim3A_294 : vector<2048x1xf32>
    %max3A_301 = arith.constant 0.000000e+00 : f32
    %max3A_302 = vector.broadcast %max3A_301 : f32 to vector<2048x1xf32>
    %max3A_303 = arith.maximumf %add3A_300, %max3A_302 : vector<2048x1xf32>
    %reduce_sum3A_304 = vector.shape_cast %max3A_303 : vector<2048x1xf32> to vector<1x2048x1xf32>
    %reduce_sum3A_305 = arith.constant dense<0.000000e+00> : vector<1xf32>
    %reduce_sum3A_306 = vector.multi_reduction <add>, %reduce_sum3A_304, %reduce_sum3A_305 [1, 2] : vector<1x2048x1xf32> to vector<1xf32>
    %reduce_sum3A_307 = vector.shape_cast %reduce_sum3A_306 : vector<1xf32> to vector<1x1x1xf32>
    %reduce_sum3A_308 = vector.extract %reduce_sum3A_307[0, 0, 0] : f32 from vector<1x1x1xf32>
    %add3A_309 = arith.addf %broadcast_in_dim3A_284, %broadcast_in_dim3A_299 : vector<1x2048xf32>
    %max3A_310 = arith.constant 0.000000e+00 : f32
    %max3A_311 = vector.broadcast %max3A_310 : f32 to vector<1x2048xf32>
    %max3A_312 = arith.maximumf %add3A_309, %max3A_311 : vector<1x2048xf32>
    %reduce_sum3A_313 = vector.shape_cast %max3A_312 : vector<1x2048xf32> to vector<1x1x2048xf32>
    %reduce_sum3A_314 = arith.constant dense<0.000000e+00> : vector<1xf32>
    %reduce_sum3A_315 = vector.multi_reduction <add>, %reduce_sum3A_313, %reduce_sum3A_314 [1, 2] : vector<1x1x2048xf32> to vector<1xf32>
    %reduce_sum3A_316 = vector.shape_cast %reduce_sum3A_315 : vector<1xf32> to vector<1x1x1xf32>
    %reduce_sum3A_317 = vector.extract %reduce_sum3A_316[0, 0, 0] : f32 from vector<1x1x1xf32>
    %add3A_318 = arith.addf %reduce_sum3A_308, %reduce_sum3A_317 : f32
    %div3A_319 = arith.constant 1.638400e+04 : f32
    %div3A_320 = arith.divf %add3A_318, %div3A_319 : f32
    %add3A_321 = arith.addf %add3A_266, %div3A_320 : f32
    %get3A_322 = arith.constant 6 : index
    %get3A_323 = arith.constant 0 : index
    %get3A_324 = arith.constant 0 : index
    %get3A_325 = vector.load %arg1[%get3A_322, %get3A_323, %get3A_324] : memref<8x2048x8xf32, #tpu.memory_space<vmem>>, vector<1x2048x8xf32>
    %get3A_326 = vector.shape_cast %get3A_325 : vector<1x2048x8xf32> to vector<2048x8xf32>
    %get3A_327 = arith.constant 6 : index
    %get3A_328 = arith.constant 0 : index
    %get3A_329 = arith.constant 0 : index
    %get3A_330 = vector.load %arg2[%get3A_327, %get3A_328, %get3A_329] : memref<8x8x2048xf32, #tpu.memory_space<vmem>>, vector<1x8x2048xf32>
    %get3A_331 = vector.shape_cast %get3A_330 : vector<1x8x2048xf32> to vector<8x2048xf32>
    %mul3A_332 = arith.mulf %get3A_326, %get3A_326 : vector<2048x8xf32>
    %reduce_sum3A_333 = arith.constant dense<0.000000e+00> : vector<2048xf32>
    %reduce_sum3A_334 = vector.multi_reduction <add>, %mul3A_332, %reduce_sum3A_333 [1] : vector<2048x8xf32> to vector<2048xf32>
    %broadcast_in_dim3A_335 = vector.shape_cast %reduce_sum3A_334 : vector<2048xf32> to vector<2048x1xf32>
    %mul3A_336 = arith.mulf %get3A_331, %get3A_331 : vector<8x2048xf32>
    %reduce_sum3A_337 = arith.constant dense<0.000000e+00> : vector<2048xf32>
    %reduce_sum3A_338 = vector.multi_reduction <add>, %mul3A_336, %reduce_sum3A_337 [0] : vector<8x2048xf32> to vector<2048xf32>
    %broadcast_in_dim3A_339 = vector.shape_cast %reduce_sum3A_338 : vector<2048xf32> to vector<1x2048xf32>
    %mul3A_340 = arith.constant -2.000000e+00 : f32
    %mul3A_341 = vector.broadcast %mul3A_340 : f32 to vector<2048x8xf32>
    %mul3A_342 = arith.mulf %mul3A_341, %get3A_326 : vector<2048x8xf32>
    %dot_general3A_343 = arith.constant dense<0.000000e+00> : vector<2048x2048xf32>
    %dot_general3A_344 = tpu.matmul %mul3A_342, %get3A_331, %dot_general3A_343 {dimension_numbers = #tpu.dot_dimension_numbers<[1], [0], [0], [1], [0, 0, 1, 1], [], []>, transpose_lhs_hint = false} : vector<2048x8xf32>, vector<8x2048xf32>, vector<2048x2048xf32> -> vector<2048x2048xf32>
    %add3A_345 = vector.broadcast %broadcast_in_dim3A_339 : vector<1x2048xf32> to vector<2048x2048xf32>
    %add3A_346 = arith.addf %add3A_345, %dot_general3A_344 : vector<2048x2048xf32>
    %reduce_min3A_347 = arith.constant dense<0x7F800000> : vector<2048xf32>
    %reduce_min3A_348 = vector.multi_reduction <minimumf>, %add3A_346, %reduce_min3A_347 [1] : vector<2048x2048xf32> to vector<2048xf32>
    %broadcast_in_dim3A_349 = vector.shape_cast %reduce_min3A_348 : vector<2048xf32> to vector<2048x1xf32>
    %add3A_350 = vector.broadcast %broadcast_in_dim3A_335 : vector<2048x1xf32> to vector<2048x2048xf32>
    %add3A_351 = arith.addf %add3A_350, %dot_general3A_344 : vector<2048x2048xf32>
    %reduce_min3A_352 = arith.constant dense<0x7F800000> : vector<2048xf32>
    %reduce_min3A_353 = vector.multi_reduction <minimumf>, %add3A_351, %reduce_min3A_352 [0] : vector<2048x2048xf32> to vector<2048xf32>
    %broadcast_in_dim3A_354 = vector.shape_cast %reduce_min3A_353 : vector<2048xf32> to vector<1x2048xf32>
    %add3A_355 = arith.addf %broadcast_in_dim3A_335, %broadcast_in_dim3A_349 : vector<2048x1xf32>
    %max3A_356 = arith.constant 0.000000e+00 : f32
    %max3A_357 = vector.broadcast %max3A_356 : f32 to vector<2048x1xf32>
    %max3A_358 = arith.maximumf %add3A_355, %max3A_357 : vector<2048x1xf32>
    %reduce_sum3A_359 = vector.shape_cast %max3A_358 : vector<2048x1xf32> to vector<1x2048x1xf32>
    %reduce_sum3A_360 = arith.constant dense<0.000000e+00> : vector<1xf32>
    %reduce_sum3A_361 = vector.multi_reduction <add>, %reduce_sum3A_359, %reduce_sum3A_360 [1, 2] : vector<1x2048x1xf32> to vector<1xf32>
    %reduce_sum3A_362 = vector.shape_cast %reduce_sum3A_361 : vector<1xf32> to vector<1x1x1xf32>
    %reduce_sum3A_363 = vector.extract %reduce_sum3A_362[0, 0, 0] : f32 from vector<1x1x1xf32>
    %add3A_364 = arith.addf %broadcast_in_dim3A_339, %broadcast_in_dim3A_354 : vector<1x2048xf32>
    %max3A_365 = arith.constant 0.000000e+00 : f32
    %max3A_366 = vector.broadcast %max3A_365 : f32 to vector<1x2048xf32>
    %max3A_367 = arith.maximumf %add3A_364, %max3A_366 : vector<1x2048xf32>
    %reduce_sum3A_368 = vector.shape_cast %max3A_367 : vector<1x2048xf32> to vector<1x1x2048xf32>
    %reduce_sum3A_369 = arith.constant dense<0.000000e+00> : vector<1xf32>
    %reduce_sum3A_370 = vector.multi_reduction <add>, %reduce_sum3A_368, %reduce_sum3A_369 [1, 2] : vector<1x1x2048xf32> to vector<1xf32>
    %reduce_sum3A_371 = vector.shape_cast %reduce_sum3A_370 : vector<1xf32> to vector<1x1x1xf32>
    %reduce_sum3A_372 = vector.extract %reduce_sum3A_371[0, 0, 0] : f32 from vector<1x1x1xf32>
    %add3A_373 = arith.addf %reduce_sum3A_363, %reduce_sum3A_372 : f32
    %div3A_374 = arith.constant 1.638400e+04 : f32
    %div3A_375 = arith.divf %add3A_373, %div3A_374 : f32
    %add3A_376 = arith.addf %add3A_321, %div3A_375 : f32
    %get3A_377 = arith.constant 7 : index
    %get3A_378 = arith.constant 0 : index
    %get3A_379 = arith.constant 0 : index
    %get3A_380 = vector.load %arg1[%get3A_377, %get3A_378, %get3A_379] : memref<8x2048x8xf32, #tpu.memory_space<vmem>>, vector<1x2048x8xf32>
    %get3A_381 = vector.shape_cast %get3A_380 : vector<1x2048x8xf32> to vector<2048x8xf32>
    %get3A_382 = arith.constant 7 : index
    %get3A_383 = arith.constant 0 : index
    %get3A_384 = arith.constant 0 : index
    %get3A_385 = vector.load %arg2[%get3A_382, %get3A_383, %get3A_384] : memref<8x8x2048xf32, #tpu.memory_space<vmem>>, vector<1x8x2048xf32>
    %get3A_386 = vector.shape_cast %get3A_385 : vector<1x8x2048xf32> to vector<8x2048xf32>
    %mul3A_387 = arith.mulf %get3A_381, %get3A_381 : vector<2048x8xf32>
    %reduce_sum3A_388 = arith.constant dense<0.000000e+00> : vector<2048xf32>
    %reduce_sum3A_389 = vector.multi_reduction <add>, %mul3A_387, %reduce_sum3A_388 [1] : vector<2048x8xf32> to vector<2048xf32>
    %broadcast_in_dim3A_390 = vector.shape_cast %reduce_sum3A_389 : vector<2048xf32> to vector<2048x1xf32>
    %mul3A_391 = arith.mulf %get3A_386, %get3A_386 : vector<8x2048xf32>
    %reduce_sum3A_392 = arith.constant dense<0.000000e+00> : vector<2048xf32>
    %reduce_sum3A_393 = vector.multi_reduction <add>, %mul3A_391, %reduce_sum3A_392 [0] : vector<8x2048xf32> to vector<2048xf32>
    %broadcast_in_dim3A_394 = vector.shape_cast %reduce_sum3A_393 : vector<2048xf32> to vector<1x2048xf32>
    %mul3A_395 = arith.constant -2.000000e+00 : f32
    %mul3A_396 = vector.broadcast %mul3A_395 : f32 to vector<2048x8xf32>
    %mul3A_397 = arith.mulf %mul3A_396, %get3A_381 : vector<2048x8xf32>
    %dot_general3A_398 = arith.constant dense<0.000000e+00> : vector<2048x2048xf32>
    %dot_general3A_399 = tpu.matmul %mul3A_397, %get3A_386, %dot_general3A_398 {dimension_numbers = #tpu.dot_dimension_numbers<[1], [0], [0], [1], [0, 0, 1, 1], [], []>, transpose_lhs_hint = false} : vector<2048x8xf32>, vector<8x2048xf32>, vector<2048x2048xf32> -> vector<2048x2048xf32>
    %add3A_400 = vector.broadcast %broadcast_in_dim3A_394 : vector<1x2048xf32> to vector<2048x2048xf32>
    %add3A_401 = arith.addf %add3A_400, %dot_general3A_399 : vector<2048x2048xf32>
    %reduce_min3A_402 = arith.constant dense<0x7F800000> : vector<2048xf32>
    %reduce_min3A_403 = vector.multi_reduction <minimumf>, %add3A_401, %reduce_min3A_402 [1] : vector<2048x2048xf32> to vector<2048xf32>
    %broadcast_in_dim3A_404 = vector.shape_cast %reduce_min3A_403 : vector<2048xf32> to vector<2048x1xf32>
    %add3A_405 = vector.broadcast %broadcast_in_dim3A_390 : vector<2048x1xf32> to vector<2048x2048xf32>
    %add3A_406 = arith.addf %add3A_405, %dot_general3A_399 : vector<2048x2048xf32>
    %reduce_min3A_407 = arith.constant dense<0x7F800000> : vector<2048xf32>
    %reduce_min3A_408 = vector.multi_reduction <minimumf>, %add3A_406, %reduce_min3A_407 [0] : vector<2048x2048xf32> to vector<2048xf32>
    %broadcast_in_dim3A_409 = vector.shape_cast %reduce_min3A_408 : vector<2048xf32> to vector<1x2048xf32>
    %add3A_410 = arith.addf %broadcast_in_dim3A_390, %broadcast_in_dim3A_404 : vector<2048x1xf32>
    %max3A_411 = arith.constant 0.000000e+00 : f32
    %max3A_412 = vector.broadcast %max3A_411 : f32 to vector<2048x1xf32>
    %max3A_413 = arith.maximumf %add3A_410, %max3A_412 : vector<2048x1xf32>
    %reduce_sum3A_414 = vector.shape_cast %max3A_413 : vector<2048x1xf32> to vector<1x2048x1xf32>
    %reduce_sum3A_415 = arith.constant dense<0.000000e+00> : vector<1xf32>
    %reduce_sum3A_416 = vector.multi_reduction <add>, %reduce_sum3A_414, %reduce_sum3A_415 [1, 2] : vector<1x2048x1xf32> to vector<1xf32>
    %reduce_sum3A_417 = vector.shape_cast %reduce_sum3A_416 : vector<1xf32> to vector<1x1x1xf32>
    %reduce_sum3A_418 = vector.extract %reduce_sum3A_417[0, 0, 0] : f32 from vector<1x1x1xf32>
    %add3A_419 = arith.addf %broadcast_in_dim3A_394, %broadcast_in_dim3A_409 : vector<1x2048xf32>
    %max3A_420 = arith.constant 0.000000e+00 : f32
    %max3A_421 = vector.broadcast %max3A_420 : f32 to vector<1x2048xf32>
    %max3A_422 = arith.maximumf %add3A_419, %max3A_421 : vector<1x2048xf32>
    %reduce_sum3A_423 = vector.shape_cast %max3A_422 : vector<1x2048xf32> to vector<1x1x2048xf32>
    %reduce_sum3A_424 = arith.constant dense<0.000000e+00> : vector<1xf32>
    %reduce_sum3A_425 = vector.multi_reduction <add>, %reduce_sum3A_423, %reduce_sum3A_424 [1, 2] : vector<1x1x2048xf32> to vector<1xf32>
    %reduce_sum3A_426 = vector.shape_cast %reduce_sum3A_425 : vector<1xf32> to vector<1x1x1xf32>
    %reduce_sum3A_427 = vector.extract %reduce_sum3A_426[0, 0, 0] : f32 from vector<1x1x1xf32>
    %add3A_428 = arith.addf %reduce_sum3A_418, %reduce_sum3A_427 : f32
    %div3A_429 = arith.constant 1.638400e+04 : f32
    %div3A_430 = arith.divf %add3A_428, %div3A_429 : f32
    %add3A_431 = arith.addf %add3A_376, %div3A_430 : f32
    %reshape3A = vector.broadcast %add3A_431 : f32 to vector<1x1xf32>
    %swap3A = arith.constant 0 : index
    %swap3A_432 = arith.constant 0 : index
    %swap3A_433 = vector.load %arg3[%swap3A, %swap3A_432] : memref<1x1xf32, #tpu.memory_space<vmem>>, vector<1x1xf32>
    tpu.vector_store %arg3[%swap3A, %swap3A_432], %reshape3A {strides = array<i32>} : memref<1x1xf32, #tpu.memory_space<vmem>>, vector<1x1xf32>,
    return
  }
  func.func @transform_0(%arg0: i32) -> (i32, i32, i32) {
    %c0_i32 = arith.constant 0 : i32
    %c0_i32_0 = arith.constant 0 : i32
    %c0_i32_1 = arith.constant 0 : i32
    %c0_i32_2 = arith.constant 0 : i32
    return %c0_i32, %c0_i32_0, %c0_i32_1 : i32, i32, i32
  }
  func.func @transform_1(%arg0: i32) -> (i32, i32, i32) {
    %c0_i32 = arith.constant 0 : i32
    %c0_i32_0 = arith.constant 0 : i32
    %c0_i32_1 = arith.constant 0 : i32
    %c0_i32_2 = arith.constant 0 : i32
    return %c0_i32, %c0_i32_0, %c0_i32_1 : i32, i32, i32
  }
  func.func @transform_2(%arg0: i32) -> (i32, i32) {
    %c0_i32 = arith.constant 0 : i32
    %c0_i32_0 = arith.constant 0 : i32
    %c0_i32_1 = arith.constant 0 : i32
    return %c0_i32, %c0_i32_0 : i32, i32
  }
}

</mosaic_0001>

<sc_bundles>
// kernel: kernel.4.cloned.1.call-start
scs
__scs_entry_jumppad:
0x0: {  	(pc) =	sbr.rel $0x88, $3  }
0x1: {  	(tag) =	ssettag $0x0;
	lr =	simm.s32 $0x1  }
0x2: {  	[smem:$0x3F9D] =	sst lr;
	_ =	strace $0xD0000000  }
0x3: {  	_ = 	snop  }
0x4: {  	_ = 	snop  }
0x5: {  	_ = 	snop  }
0x6: {  	_ = 	snop  }
0x7: {  	_ = 	snop  }
__scs_overlays_trampoline_lowered:
0x8: {  	[smem:$0x3FAC] =	sst s0  }
0x9: {  	[smem:$0x3FAD] =	sst s1  }
0xa: {  	[smem:$0x3FAE] =	sst s2  }
0xb: {  	[smem:$0x3FAF] =	sst s3  }
0xc: {  	[smem:$0x3FB0] =	sst s4  }
0xd: {  	[smem:$0x3FB1] =	sst s5  }
0xe: {  	[smem:$0x3FB2] =	sst s6  }
0xf: {  	[smem:$0x3FB3] =	sst s7  }
0x10: {  	[smem:$0x3FB4] =	sst s8  }
0x11: {  	[smem:$0x3FB5] =	sst s9;
	s0 =	simm.s32 @!p0 $0x0  }
0x12: {  	s1 =	sld [smem:$0x3F9B];
	s0 =	simm.s32 @p0 $0x1  }
0x13: {  	[smem:$0x3FB6] =	sst s0;
	s0 =	simm.s32 @!p1 $0x0  }
0x14: {  	s2 =	sld [smem:$0x3F9A];
	s0 =	simm.s32 @p1 $0x1  }
0x15: {  	[smem:$0x3FB7] =	sst s0;
	s0 =	simm.s32 @!p2 $0x0  }
0x16: {  	s3 =	sld [smem:$0x3FDB];
	s0 =	simm.s32 @p2 $0x1  }
0x17: {  	s4 =	simm.s32 $0x1BF5;
	[smem:$0x3FB9] =	sst s0  }
0x18: {  	s0 =	sld [smem:$0x3F9C];
	_ =	swait.ge [sflag:s4], $0x0  }
0x19: {  	s7 =	sld [smem:$0x3F9D]  }
0x1a: {  	s8 =	sadd.s32 $0xFFFFE003, lr  }
0x1b: {  	s9 =	sadd.s32 $0xFFFFFEF7, lr;
	s5 =	simm.s32 $0xFFFFFFFF;
	p2 =	slt.u32 s8, $0xFFFFF086  }
0x1c: {  	p1 =	slt.u32 s9, $0xF7A;
	s5 =	simm.s32 @!p2 $0x0  }
0x1d: {  	s5 =	simm.s32 @p1 $0x1;
	p0 =	seq.s32 s7, s2  }
0x1e: {  	s7 =	smul.u32 @!p0 $0xF7A, s2;
	p2 =	seq.s32 @!p0 s5, $0x0  }
0x1f: {  	s9 =	smul.u32 $0xF7A, s1;
	s8 =	simm.s32 @!p0 $0x1BF5;
	p2 =	por !p2, p0  }
0x20: {  	[sflag:s8] =	ssyncset.s32 @!p0 $0xFFFFF086;
	s6 =	sadd.s32 @!p0 s3, s7;
	s7 =	simm.s32 @!p0 $0x108  }
0x21: {  	s3 =	sadd.s32 s3, s9;
	s6 =	sadd.s32 @!p0 $0x88, s6;
	s7 =	simm.s32 @p2 $0x1082  }
0x22: {  	[simem:s7], [sflag:s8] =	dma.local @!p0 [hbm:s6], $0xF7A  }
0x23: {  	s9 =	sor.u32 $0xD0000000, s2;
	s6 =	simm.s32 $0x108;
	_ =	swait.ge @!p0 [sflag:s8], $0x0  }
0x24: {  	s3 =	sadd.s32 $0x88, s3;
	s6 =	simm.s32 @!p1 $0x1082;
	[sflag:s4] =	ssyncset.s32 $0xFFFFF086  }
0x25: {  	[simem:s6], [sflag:s4] =	dma.local [hbm:s3], $0xF7A  }
0x26: {  	[smem:$0x3F9D] =	sst s1;
	(tag) =	ssettag s2;
	_ =	strace s9  }
0x27: {  	s1 =	sld [smem:$0x3FAD]  }
0x28: {  	s2 =	sld [smem:$0x3FAE]  }
0x29: {  	s4 =	sld [smem:$0x3FB0]  }
0x2a: {  	p0 =	seq.s32 s5, $0x0;
	s5 =	sld [smem:$0x3FB1]  }
0x2b: {  	s6 =	sld [smem:$0x3FB2]  }
0x2c: {  	s7 =	sld [smem:$0x3FB3]  }
0x2d: {  	s3 =	simm.s32 $0x108;
	s8 =	sld [smem:$0x3FB4]  }
0x2e: {  	s3 =	simm.s32 @!p0 $0x1082;
	s9 =	sld [smem:$0x3FB5]  }
0x2f: {  	lr =	sadd.s32 s0, s3;
	s0 =	sld [smem:$0x3FAC]  }
0x30: {  	s3 =	sld [smem:$0x3FAF]  }
0x31: {  	[smem:$0x3FB8] =	sst s10  }
0x32: {  	s10 =	sld [smem:$0x3FB6];
	_ =	sdelay $0x3  }
0x33: {  	p0 =	seq.s32 s10, $0x1;
	s10 =	sld [smem:$0x3FB8];
	_ =	sdelay $0x3  }
0x34: {  	[smem:$0x3FB8] =	sst s10  }
0x35: {  	s10 =	sld [smem:$0x3FB7];
	_ =	sdelay $0x3  }
0x36: {  	p1 =	seq.s32 s10, $0x1;
	s10 =	sld [smem:$0x3FB8];
	_ =	sdelay $0x3  }
0x37: {  	[smem:$0x3FB8] =	sst s10  }
0x38: {  	s10 =	sld [smem:$0x3FB9]  }
0x39: {  	_ = 	snop;
	(pc) =	sbr.ind lr, $3  }
0x3a: {  	_ = 	snop  }
0x3b: {  	_ = 	snop  }
0x3c: {  	p2 =	seq.s32 s10, $0x1;
	s10 =	sld [smem:$0x3FB8]  }
0x3d: {  	_ =	shalt  }
0x3e: {  	_ =	shalt  }
0x3f: {  	_ =	shalt  }
0x40: {  	_ =	shalt  }
0x41: {  	_ =	shalt  }
0x42: {  	_ =	shalt  }
0x43: {  	_ =	shalt  }
0x44: {  	_ =	shalt  }
0x45: {  	_ =	shalt  }
0x46: {  	_ =	shalt  }
0x47: {  	_ =	shalt  }
0x48: {  	_ =	shalt  }
0x49: {  	_ =	shalt  }
0x4a: {  	_ =	shalt  }
0x4b: {  	_ =	shalt  }
0x4c: {  	_ =	shalt  }
0x4d: {  	_ =	shalt  }
0x4e: {  	_ =	shalt  }
0x4f: {  	_ =	shalt  }
0x50: {  	_ =	shalt  }
0x51: {  	_ =	shalt  }
0x52: {  	_ =	shalt  }
0x53: {  	_ =	shalt  }
0x54: {  	_ =	shalt  }
0x55: {  	_ =	shalt  }
0x56: {  	_ =	shalt  }
0x57: {  	_ =	shalt  }
0x58: {  	_ =	shalt  }
0x59: {  	_ =	shalt  }
0x5a: {  	_ =	shalt  }
0x5b: {  	_ =	shalt  }
0x5c: {  	_ =	shalt  }
0x5d: {  	_ =	shalt  }
0x5e: {  	_ =	shalt  }
0x5f: {  	_ =	shalt  }
0x60: {  	_ =	shalt  }
0x61: {  	_ =	shalt  }
0x62: {  	_ =	shalt  }
0x63: {  	_ =	shalt  }
0x64: {  	_ =	shalt  }
0x65: {  	_ =	shalt  }
0x66: {  	_ =	shalt  }
0x67: {  	_ =	shalt  }
0x68: {  	_ =	shalt  }
0x69: {  	_ =	shalt  }
0x6a: {  	_ =	shalt  }
0x6b: {  	_ =	shalt  }
0x6c: {  	_ =	shalt  }
0x6d: {  	_ =	shalt  }
0x6e: {  	_ =	shalt  }
0x6f: {  	_ =	shalt  }
0x70: {  	_ =	shalt  }
0x71: {  	_ =	shalt  }
0x72: {  	_ =	shalt  }
0x73: {  	_ =	shalt  }
0x74: {  	_ =	shalt  }
0x75: {  	_ =	shalt  }
0x76: {  	_ =	shalt  }
0x77: {  	_ =	shalt  }
0x78: {  	_ =	shalt  }
0x79: {  	_ =	shalt  }
0x7a: {  	_ =	shalt  }
0x7b: {  	_ =	shalt  }
0x7c: {  	_ =	shalt  }
0x7d: {  	_ =	shalt  }
0x7e: {  	_ =	shalt  }
0x7f: {  	_ =	shalt  }
0x80: {  	_ =	shalt  }
0x81: {  	_ =	shalt  }
0x82: {  	_ =	shalt  }
0x83: {  	_ =	shalt  }
0x84: {  	_ =	shalt  }
0x85: {  	_ =	shalt  }
0x86: {  	_ =	shalt  }
0x87: {  	_ =	shalt  }
.Lfunc_end0:
.L_simem_size_0:
called_computation_lowered:
.L_overlay_start_0:
0x88: {  	s2 =	sld [smem:$0x3FD9]  }
0x89: {  	s3 =	sld [smem:$0x3FFE];
	_ =	sdelay $0x1  }
0x8a: {  	s1 =	srdreg.scid  }
0x8b: {  	s0 =	sand.u32 $0x1, s1  }
0x8c: {  	s16 =	sshll.u32 s0, $0xA;
	s2 =	sadd.s32 s3, s2  }
0x8d: {  	s2 =	sadd.s32 s2, s16  }
0x8e: {  	[smem:$0x3FC4] =	sst s2  }
0x8f: {  	_ = 	snop  }
0x90: {  	(tm) =	ssettm $0x1  }
0x91: {  	s17 =	sld [smem:$0x3FFB];
	_ =	sdelay $0x3  }
0x92: {  	_ =	strace s17  }
0x93: {  	s2 =	sld [smem:$0x3FFC];
	_ =	sdelay $0x3  }
0x94: {  	_ =	strace s2  }
0x95: {  	s2 =	sld [smem:$0x3FFD];
	_ =	sdelay $0x3  }
0x96: {  	_ =	strace s2  }
0x97: {  	_ =	strace $0x8FFFFFFF  }
0x98: {  	s18 =	sld [smem:$0x3FDB];
	_ =	sdelay $0x1  }
0x99: {  	s19 =	simm.s32 $_scs_section_size  }
0x9a: {  	s4 =	simm.s32 $_size__tile_overlayer_lowered;
	s5 =	simm.s32 $_tile_overlayer_lowered  }
0x9b: {  	s22 =	simm.s32 $0x1BFF;
	s21 =	sshll.u32 s5, $0x1;
	s2 =	sadd.s32 s19, s18  }
0x9c: {  	s6 =	simm.s32 $0x0;
	s20 =	sshll.u32 s4, $0x1;
	s4 =	sadd.s32 s21, s2  }
0x9d: {  	[timem:s6], [sflag:s22] =	dma.local [hbm:s4], s20  }
0x9e: {  	_ =	swait.ge [sflag:s22], s20  }
0x9f: {  	s3 =	ssub.s32 $0x0, s20;
	[sflag:s22] =	ssyncset.done $0x0  }
0xa0: {  	[sflag:s22] =	ssyncadd.s32 s3;
	_ =	sdelay $0x1  }
0xa1: {  	s23 =	simm.s32 $0x1B8B  }
0xa2: {  	_ =	swait.ge [sflag:s23], $0x1  }
0xa3: {  	[sflag:s23] =	ssyncset.done $0x0  }
0xa4: {  	s25 =	simm.s32 $0x1B8E;
	s24 =	sld [smem:$0x3FFE];
	[sflag:s23] =	ssyncadd.s32 $0xFFFFFFFF  }
0xa5: {  	s26 =	simm.s32 $execute0_lowered;
	[smem:$0x3FD2] =	sst s25  }
0xa6: {  	s4 =	sshll.u32 s26, $0x1;
	_ =	strace $0x80000046;
	[dreg:$0x1] =	wrdreg $0xFFFFFFFF  }
0xa7: {  	s28 =	simm.s32 $_size_execute0_lowered;
	s2 =	sadd.s32 s2, s4;
	[dreg:$0x0] =	wrdreg $0x0  }
0xa8: {  	s4 =	sshll.u32 s28, $0x1;
	[dreg:$0x2] =	wrdreg s2  }
0xa9: {  	[dreg:$0x3] =	wrdreg s4  }
0xaa: {  	[dreg:$0x4] =	wrdreg $0xC0  }
0xab: {  	_ =	task [dreg:s6], $0x5FFFF  }
0xac: {  	[dreg:$0x1] =	wrdreg $0xFFFFFFFF  }
0xad: {  	[dreg:$0x0] =	wrdreg $0x60  }
0xae: {  	[dreg:$0x2] =	wrdreg s24  }
0xaf: {  	[dreg:$0x3] =	wrdreg $0x9  }
0xb0: {  	_ =	task.clear_ibuf [dreg:s6], $0x4FFFF;
	_ =	strace $0x90000046  }
0xb1: {  	s29 =	simm.s32 $0x9;
	_ =	strace $0x80000048  }
0xb2: {  	_ =	swait.ge [sflag:s29], $0x1  }
0xb3: {  	[sflag:s29] =	ssyncadd.s32 $0xFFFFFFFF  }
0xb4: {  	_ =	strace $0x90000048  }
0xb5: {  	_ =	sfence  }
0xb6: {  	s30 =	sld [smem:$0x0];
	_ =	sdelay $0x2  }
0xb7: {  	s31 =	sshll.u32 s1, $0xD;
	s1 =	sshrl.u32 s1, $0x2  }
0xb8: {  	s3 =	sand.u32 $0x4000, s31;
	s1 =	sadd.s32 s1, s30  }
0xb9: {  	s0 =	sor.u32 s3, s0;
	s1 =	sshll.u32 s1, $0x11  }
0xba: {  	s0 =	sor.u32 s1, s0  }
0xbb: {  	s0 =	sadd.s32 $0x8F2B, s0  }
0xbc: {  	[sflag:s0] =	ssyncadd.remote.s32 $0x1  }
0xbd: {  	_ =	sfence.sel $0xFFFF  }
0xbe: {  	[dreg:$0x0] =	wrdreg $0xFFFFFFFF;
	(pc) =	sbr.abs _section_cstart, $3  }
0xbf: {  	[dreg:$0x1] =	wrdreg $0xFFFFFFFF  }
0xc0: {  	_ =	task.clear_ibuf [dreg:s6], $0x2FFFF;
	_ =	strace $0x9FFFFFFF  }
0xc1: {  	(tm) =	ssettm $0x7FFFFFFF  }
tec
execute0_lowered:
.L_overlay_start_1:
0x0: {  	(tag) =	ssettag $0x1  }
0x1: {  	s0 =	srdreg.scid  }
0x2: {  	s8 =	sand.u32 $0x1, s0;
	s0 =	stileid.u32  }
0x3: {  	s2 =	sor.u32 s0, s8  }
0x4: {  	p0 =	sne.s32 s2, $0x0  }
.Ltmp0:
0x5: {  	_ = 	snop;
	(pc) =	sbr.rel @p0 .LBB2_4-.Ltmp0, $3  }
0x6: {  	_ =	sdelay $0x1  }
0x7: {  	s7 =	rddreg [dreg:$0x0]  }
0x8: {  	s1 =	rddreg [dreg:$0x1];
	_ =	strace $0x80000047  }
0x9: {  	s2 =	sadd.s32 $0x200, s7;
	s4 =	simm.s32 $0x0;
	s3 =	simm.s32 $0x1  }
0xa: {  	[tilespmem:s4], [sflag:$0x1] =	stream.linear.gather [hbm4b:s2+s4], $0x1400, $0x38;
	[tilespmem:$0x1500] =	vst v63  }
0xb: {  	_ =	swait.ge [sflag:s3], $0x1400  }
0xc: {  	[sflag:s3] =	ssyncset.done $0x0  }
0xd: {  	s5 =	sadd.s32 $0x600, s7;
	s6 =	simm.s32 $0x1400;
	[sflag:s3] =	ssyncadd.s32 $0xFFFFEC00  }
0xe: {  	[tilespmem:s6], [sflag:$0x1] =	stream.linear.gather [hbm4b:s5+s4], $0x80, $0x38;
	[tilespmem:$0x1500] =	vst v63  }
0xf: {  	_ =	swait.ge [sflag:s3], $0x80  }
0x10: {  	[sflag:s3] =	ssyncset.done $0x0  }
0x11: {  	[sflag:s3] =	ssyncadd.s32 $0xFFFFFF80  }
0x12: {  	v0 =	vld [tilespmem:$0x1400]  }
0x13: {  	v1 =	vld [tilespmem:$0x0]  }
0x14: {  	v2 =	vld [tilespmem:$0x80]  }
0x15: {  	v3 =	vld [tilespmem:$0x100]  }
0x16: {  	v4 =	vld [tilespmem:$0x180]  }
0x17: {  	v5 =	vld [tilespmem:$0x200];
	vm0 =	veq.s32 v0, $0x0  }
0x18: {  	v6 =	vld [tilespmem:$0x280];
	vm13 =	veq.s32 v0, $0x1;
	v1 =	vnsel vm0, $0x0, v1  }
0x19: {  	v30 =	vld [tilespmem:$0x300];
	vm14 =	veq.s32 v0, $0x2;
	v1 =	vsel vm13, v2, v1  }
0x1a: {  	v31 =	vld [tilespmem:$0x380];
	vm15 =	veq.s32 v0, $0x3;
	v1 =	vsel vm14, v3, v1  }
0x1b: {  	v32 =	vld [tilespmem:$0x400];
	vm4 =	veq.s32 v0, $0x4;
	v1 =	vsel vm15, v4, v1  }
0x1c: {  	v33 =	vld [tilespmem:$0x480];
	vm5 =	veq.s32 v0, $0x5;
	v1 =	vsel vm4, v5, v1  }
0x1d: {  	v34 =	vld [tilespmem:$0x500];
	vm6 =	veq.s32 v0, $0x6;
	v1 =	vsel vm5, v6, v1  }
0x1e: {  	v35 =	vld [tilespmem:$0x580];
	vm7 =	veq.s32 v0, $0x7;
	v1 =	vsel vm6, v30, v1  }
0x1f: {  	v36 =	vld [tilespmem:$0x600];
	vm8 =	veq.s32 v0, $0x8;
	v1 =	vsel vm7, v31, v1  }
0x20: {  	v37 =	vld [tilespmem:$0x680];
	vm9 =	veq.s32 v0, $0x9;
	v1 =	vsel vm8, v32, v1  }
0x21: {  	v38 =	vld [tilespmem:$0x700];
	vm10 =	veq.s32 v0, $0xA;
	v1 =	vsel vm9, v33, v1  }
0x22: {  	v39 =	vld [tilespmem:$0x780];
	vm11 =	veq.s32 v0, $0xB;
	v1 =	vsel vm10, v34, v1  }
0x23: {  	v40 =	vld [tilespmem:$0x800];
	vm12 =	veq.s32 v0, $0xC;
	v1 =	vsel vm11, v35, v1  }
0x24: {  	v41 =	vld [tilespmem:$0x880];
	vm13 =	veq.s32 v0, $0xD;
	v1 =	vsel vm12, v36, v1  }
0x25: {  	v42 =	vld [tilespmem:$0x900];
	vm14 =	veq.s32 v0, $0xE;
	v1 =	vsel vm13, v37, v1  }
0x26: {  	v43 =	vld [tilespmem:$0x980];
	vm15 =	veq.s32 v0, $0xF;
	v1 =	vsel vm14, v38, v1  }
0x27: {  	v44 =	vld [tilespmem:$0xA00];
	vm4 =	veq.s32 v0, $0x10;
	v1 =	vsel vm15, v39, v1  }
0x28: {  	v45 =	vld [tilespmem:$0xA80];
	vm5 =	veq.s32 v0, $0x11;
	v1 =	vsel vm4, v40, v1  }
0x29: {  	v46 =	vld [tilespmem:$0xB00];
	vm6 =	veq.s32 v0, $0x12;
	v1 =	vsel vm5, v41, v1  }
0x2a: {  	v47 =	vld [tilespmem:$0xB80];
	vm7 =	veq.s32 v0, $0x13;
	v1 =	vsel vm6, v42, v1  }
0x2b: {  	v48 =	vld [tilespmem:$0xC00];
	vm8 =	veq.s32 v0, $0x14;
	v1 =	vsel vm7, v43, v1  }
0x2c: {  	v49 =	vld [tilespmem:$0xC80];
	vm9 =	veq.s32 v0, $0x15;
	v1 =	vsel vm8, v44, v1  }
0x2d: {  	v50 =	vld [tilespmem:$0xD00];
	vm10 =	veq.s32 v0, $0x16;
	v1 =	vsel vm9, v45, v1  }
0x2e: {  	v51 =	vld [tilespmem:$0xD80];
	vm11 =	veq.s32 v0, $0x17;
	v1 =	vsel vm10, v46, v1  }
0x2f: {  	v52 =	vld [tilespmem:$0xE00];
	vm12 =	veq.s32 v0, $0x18;
	v1 =	vsel vm11, v47, v1  }
0x30: {  	v53 =	vld [tilespmem:$0xE80];
	vm13 =	veq.s32 v0, $0x19;
	v1 =	vsel vm12, v48, v1  }
0x31: {  	v54 =	vld [tilespmem:$0xF00];
	vm14 =	veq.s32 v0, $0x1A;
	v1 =	vsel vm13, v49, v1  }
0x32: {  	v55 =	vld [tilespmem:$0xF80];
	vm15 =	veq.s32 v0, $0x1B;
	v1 =	vsel vm14, v50, v1  }
0x33: {  	v56 =	vld [tilespmem:$0x1000];
	vm4 =	veq.s32 v0, $0x1C;
	v1 =	vsel vm15, v51, v1  }
0x34: {  	v57 =	vld [tilespmem:$0x1080];
	vm5 =	veq.s32 v0, $0x1D;
	v1 =	vsel vm4, v52, v1  }
0x35: {  	v58 =	vld [tilespmem:$0x1100];
	vm6 =	veq.s32 v0, $0x1E;
	v1 =	vsel vm5, v53, v1  }
0x36: {  	v59 =	vld [tilespmem:$0x1180];
	vm7 =	veq.s32 v0, $0x1F;
	v1 =	vsel vm6, v54, v1  }
0x37: {  	v60 =	vld [tilespmem:$0x1200];
	vm8 =	veq.s32 v0, $0x20;
	v1 =	vsel vm7, v55, v1  }
0x38: {  	v61 =	vld [tilespmem:$0x1280];
	vm9 =	veq.s32 v0, $0x21;
	v1 =	vsel vm8, v56, v1  }
0x39: {  	v62 =	vld [tilespmem:$0x1300];
	vm10 =	veq.s32 v0, $0x22;
	v1 =	vsel vm9, v57, v1  }
0x3a: {  	v63 =	vld [tilespmem:$0x1380];
	vm11 =	veq.s32 v0, $0x23;
	v1 =	vsel vm10, v58, v1  }
0x3b: {  	s8 =	ssub.s32 $0x2, s8;
	vm12 =	veq.s32 v0, $0x24;
	v1 =	vsel vm11, v59, v1  }
0x3c: {  	s9 =	sshrl.u32 s8, $0x1;
	vm13 =	veq.s32 v0, $0x25;
	v1 =	vsel vm12, v60, v1  }
0x3d: {  	s9 =	ssub.s32 s8, s9;
	vm14 =	veq.s32 v0, $0x26;
	v1 =	vsel vm13, v61, v1  }
0x3e: {  	p0 =	sne.s32 s9, $0x1;
	vm15 =	veq.s32 v0, $0x27;
	v1 =	vsel vm14, v62, v1  }
.Ltmp1:
0x3f: {  	v0 =	vsel vm15, v63, v1;
	(pc) =	sbr.rel @!p0 .LBB2_3-.Ltmp1, $4  }
0x40: {  	s7 =	sadd.s32 $0x800, s7;
	s8 =	simm.s32 $0x1480;
	[tilespmem:$0x1480] =	vst v0  }
0x41: {  	[hbm4b:s7+s4] =	stream.linear.scatter [tilespmem:s8], [sflag:$0x1], $0x80, $0x38;
	[tilespmem:$0x1500] =	vst v63  }
0x42: {  	_ =	swait.ge [sflag:s3], $0x80  }
0x43: {  	s9 =	sadd.s32 $0xFFFFFFFF, s9;
	[sflag:s3] =	ssyncset.done $0x0  }
.LBB2_2:
0x44: {  	p0 =	sne.s32 s9, $0x1;
	s9 =	sadd.s32 $0xFFFFFFFF, s9;
	[sflag:s3] =	ssyncadd.s32 $0xFFFFFF80  }
0x45: {  	[tilespmem:s4], [sflag:$0x1] =	stream.linear.gather [hbm4b:s2+s4], $0x1400, $0x38;
	[tilespmem:$0x1500] =	vst v63  }
0x46: {  	_ =	swait.ge [sflag:s3], $0x1400  }
0x47: {  	[sflag:s3] =	ssyncset.done $0x0  }
0x48: {  	[sflag:s3] =	ssyncadd.s32 $0xFFFFEC00  }
0x49: {  	[tilespmem:s6], [sflag:$0x1] =	stream.linear.gather [hbm4b:s5+s4], $0x80, $0x38;
	[tilespmem:$0x1500] =	vst v63  }
0x4a: {  	_ =	swait.ge [sflag:s3], $0x80  }
0x4b: {  	[sflag:s3] =	ssyncset.done $0x0  }
0x4c: {  	[sflag:s3] =	ssyncadd.s32 $0xFFFFFF80  }
0x4d: {  	v0 =	vld [tilespmem:$0x1400]  }
0x4e: {  	v1 =	vld [tilespmem:$0x0]  }
0x4f: {  	v2 =	vld [tilespmem:$0x80]  }
0x50: {  	v3 =	vld [tilespmem:$0x100]  }
0x51: {  	v4 =	vld [tilespmem:$0x180]  }
0x52: {  	vm0 =	veq.s32 v0, $0x0;
	v5 =	vld [tilespmem:$0x200]  }
0x53: {  	v1 =	vnsel vm0, $0x0, v1;
	vm0 =	veq.s32 v0, $0x1;
	v6 =	vld [tilespmem:$0x280]  }
0x54: {  	v1 =	vsel vm0, v2, v1;
	vm0 =	veq.s32 v0, $0x2;
	v2 =	vld [tilespmem:$0x300]  }
0x55: {  	v1 =	vsel vm0, v3, v1;
	vm0 =	veq.s32 v0, $0x3;
	v3 =	vld [tilespmem:$0x380]  }
0x56: {  	v1 =	vsel vm0, v4, v1;
	vm0 =	veq.s32 v0, $0x4;
	v4 =	vld [tilespmem:$0x400]  }
0x57: {  	v1 =	vsel vm0, v5, v1;
	vm0 =	veq.s32 v0, $0x5;
	v5 =	vld [tilespmem:$0x480]  }
0x58: {  	v1 =	vsel vm0, v6, v1;
	vm0 =	veq.s32 v0, $0x6;
	v6 =	vld [tilespmem:$0x500]  }
0x59: {  	v1 =	vsel vm0, v2, v1;
	vm0 =	veq.s32 v0, $0x7;
	v2 =	vld [tilespmem:$0x580]  }
0x5a: {  	v1 =	vsel vm0, v3, v1;
	vm0 =	veq.s32 v0, $0x8;
	v3 =	vld [tilespmem:$0x600]  }
0x5b: {  	v1 =	vsel vm0, v4, v1;
	vm0 =	veq.s32 v0, $0x9;
	v4 =	vld [tilespmem:$0x680]  }
0x5c: {  	v1 =	vsel vm0, v5, v1;
	vm0 =	veq.s32 v0, $0xA;
	v5 =	vld [tilespmem:$0x700]  }
0x5d: {  	v1 =	vsel vm0, v6, v1;
	vm0 =	veq.s32 v0, $0xB;
	v6 =	vld [tilespmem:$0x780]  }
0x5e: {  	v1 =	vsel vm0, v2, v1;
	vm0 =	veq.s32 v0, $0xC;
	v2 =	vld [tilespmem:$0x800]  }
0x5f: {  	v1 =	vsel vm0, v3, v1;
	vm0 =	veq.s32 v0, $0xD;
	v3 =	vld [tilespmem:$0x880]  }
0x60: {  	v1 =	vsel vm0, v4, v1;
	vm0 =	veq.s32 v0, $0xE;
	v4 =	vld [tilespmem:$0x900]  }
0x61: {  	v1 =	vsel vm0, v5, v1;
	vm0 =	veq.s32 v0, $0xF;
	v5 =	vld [tilespmem:$0x980]  }
0x62: {  	v1 =	vsel vm0, v6, v1;
	vm0 =	veq.s32 v0, $0x10;
	v6 =	vld [tilespmem:$0xA00]  }
0x63: {  	v1 =	vsel vm0, v2, v1;
	vm0 =	veq.s32 v0, $0x11;
	v2 =	vld [tilespmem:$0xA80]  }
0x64: {  	v1 =	vsel vm0, v3, v1;
	vm0 =	veq.s32 v0, $0x12;
	v3 =	vld [tilespmem:$0xB00]  }
0x65: {  	v1 =	vsel vm0, v4, v1;
	vm0 =	veq.s32 v0, $0x13;
	v4 =	vld [tilespmem:$0xB80]  }
0x66: {  	v1 =	vsel vm0, v5, v1;
	vm0 =	veq.s32 v0, $0x14;
	v5 =	vld [tilespmem:$0xC00]  }
0x67: {  	v1 =	vsel vm0, v6, v1;
	vm0 =	veq.s32 v0, $0x15;
	v6 =	vld [tilespmem:$0xC80]  }
0x68: {  	v1 =	vsel vm0, v2, v1;
	vm0 =	veq.s32 v0, $0x16;
	v2 =	vld [tilespmem:$0xD00]  }
0x69: {  	v1 =	vsel vm0, v3, v1;
	vm0 =	veq.s32 v0, $0x17;
	v3 =	vld [tilespmem:$0xD80]  }
0x6a: {  	v1 =	vsel vm0, v4, v1;
	vm0 =	veq.s32 v0, $0x18;
	v4 =	vld [tilespmem:$0xE00]  }
0x6b: {  	v1 =	vsel vm0, v5, v1;
	vm0 =	veq.s32 v0, $0x19;
	v5 =	vld [tilespmem:$0xE80]  }
0x6c: {  	v1 =	vsel vm0, v6, v1;
	vm0 =	veq.s32 v0, $0x1A;
	v6 =	vld [tilespmem:$0xF00]  }
0x6d: {  	v1 =	vsel vm0, v2, v1;
	vm0 =	veq.s32 v0, $0x1B;
	v2 =	vld [tilespmem:$0xF80]  }
0x6e: {  	v1 =	vsel vm0, v3, v1;
	vm0 =	veq.s32 v0, $0x1C;
	v3 =	vld [tilespmem:$0x1000]  }
0x6f: {  	v1 =	vsel vm0, v4, v1;
	vm0 =	veq.s32 v0, $0x1D;
	v4 =	vld [tilespmem:$0x1080]  }
0x70: {  	v1 =	vsel vm0, v5, v1;
	vm0 =	veq.s32 v0, $0x1E;
	v5 =	vld [tilespmem:$0x1100]  }
0x71: {  	v1 =	vsel vm0, v6, v1;
	vm0 =	veq.s32 v0, $0x1F;
	v6 =	vld [tilespmem:$0x1180]  }
0x72: {  	v1 =	vsel vm0, v2, v1;
	vm0 =	veq.s32 v0, $0x20;
	v2 =	vld [tilespmem:$0x1200]  }
0x73: {  	v1 =	vsel vm0, v3, v1;
	vm0 =	veq.s32 v0, $0x21;
	v3 =	vld [tilespmem:$0x1280]  }
0x74: {  	v1 =	vsel vm0, v4, v1;
	vm0 =	veq.s32 v0, $0x22;
	v4 =	vld [tilespmem:$0x1300]  }
0x75: {  	v1 =	vsel vm0, v5, v1;
	vm0 =	veq.s32 v0, $0x23;
	v5 =	vld [tilespmem:$0x1380]  }
0x76: {  	v1 =	vsel vm0, v6, v1;
	vm0 =	veq.s32 v0, $0x24  }
0x77: {  	v1 =	vsel vm0, v2, v1;
	vm0 =	veq.s32 v0, $0x25  }
0x78: {  	v1 =	vsel vm0, v3, v1;
	vm0 =	veq.s32 v0, $0x26  }
0x79: {  	v1 =	vsel vm0, v4, v1;
	vm0 =	veq.s32 v0, $0x27  }
.Ltmp2:
0x7a: {  	v0 =	vsel vm0, v5, v1;
	(pc) =	sbr.rel @p0 .LBB2_2-.Ltmp2, $4  }
0x7b: {  	[tilespmem:$0x1480] =	vst v0  }
0x7c: {  	[hbm4b:s7+s4] =	stream.linear.scatter [tilespmem:s8], [sflag:$0x1], $0x80, $0x38;
	[tilespmem:$0x1500] =	vst v63  }
0x7d: {  	_ =	swait.ge [sflag:s3], $0x80  }
0x7e: {  	[sflag:s3] =	ssyncset.done $0x0  }
.LBB2_3:
0x7f: {  	[sflag:s3] =	ssyncadd.s32 $0xFFFFFF80  }
.LBB2_4:
0x80: {  	_ =	sfence.sel $0x180000  }
0x81: {  	[bflag:$0x0] =	sbarrier.arrive $0xFFFF  }
0x82: {  	p0 =	sne.s32 s0, $0x0;
	_ =	strace $0x90000047  }
0x83: {  	s0 =	sadd.s32 @!p0 $0x100000, s1;
	[bflag:$0x2] =	sbarrier.arrive $0xFFFF  }
0x84: {  	[sflag:s0] =	ssyncadd.tile.s32 @!p0 $0x1;
	_ =	shalt  }
.Lfunc_end2:
_tile_overlayer_lowered:
.L_overlay_start_2:
0x85: {  	(tag) =	ssettag $0x2  }
0x86: {  	s0 =	rddreg [dreg:$0x0];
	s2 =	stileid.u32  }
0x87: {  	s1 =	rddreg [dreg:$0x1];
	p0 =	sne.s32 s2, $0x0  }
0x88: {  	s3 =	rddreg [dreg:$0x2];
	[bflag:$0x3] =	sbarrier.arrive $0xFFFF;
	s2 =	simm.s32 @!p0 $0x1C01  }
0x89: {  	[timem:s3], [sflag:s2] =	dma.local @!p0 [hbm:s0], s1  }
0x8a: {  	s0 =	simm.s32 @!p0 $0x1  }
0x8b: {  	_ =	swait.ge @!p0 [sflag:s0], s1  }
0x8c: {  	s1 =	ssub.s32 @!p0 $0x0, s1;
	[sflag:s0] =	ssyncset.done @!p0 $0x0  }
0x8d: {  	[sflag:s0] =	ssyncadd.s32 @!p0 s1  }
0x8e: {  	[bflag:$0x3] =	sbarrier.arrive $0xFFFF  }
0x8f: {  	_ =	shalt  }

</sc_bundles>
